<compile_context>
chip_gen: v7x
topology: tpu7x:2x2x1
jax: 0.10.2.dev20260603
libtpu: 0.0.44.dev20260713+nightly
codegen_flags: <defaults>
</compile_context>

<pallas_src>
import functools
import jax
import jax.numpy as jnp
from jax import lax
from jax.experimental import pallas as pl
from jax.experimental.pallas import tpu as pltpu
from jax.experimental.pallas import tpu_sc as plsc

_NUM_EXPERTS = 16
_COEF = 0.01
_EPS = 1e-10
_NW = 32
_L = 16


def _matmul_body(x_ref, w_ref, out_ref):
    out_ref[...] = jnp.dot(x_ref[...], w_ref[...],
                           preferred_element_type=jnp.float32)


def _tc_logits(x, w_gate):
    n_tokens, d_model = x.shape
    tile = 2048
    return pl.pallas_call(
        _matmul_body,
        grid=(n_tokens // tile,),
        in_specs=[
            pl.BlockSpec((tile, d_model), lambda i: (i, 0)),
            pl.BlockSpec((d_model, _NUM_EXPERTS), lambda i: (0, 0)),
        ],
        out_specs=pl.BlockSpec((tile, _NUM_EXPERTS), lambda i: (i, 0)),
        out_shape=jax.ShapeDtypeStruct((n_tokens, _NUM_EXPERTS), jnp.float32),
    )(x, w_gate)


def _make_sc_route(n_tokens):
    tpw = n_tokens // _NW
    n_groups = tpw // _L
    mesh = plsc.VectorSubcoreMesh(core_axis_name="c", subcore_axis_name="s")

    @functools.partial(
        pl.kernel, mesh=mesh,
        out_type=[
            jax.ShapeDtypeStruct((n_tokens, _NUM_EXPERTS), jnp.float32),
            jax.ShapeDtypeStruct((2 * _NW, _NUM_EXPERTS), jnp.float32),
        ],
        scratch_types=[
            pltpu.VMEM((tpw, _NUM_EXPERTS), jnp.float32),
            pltpu.VMEM((tpw, _NUM_EXPERTS), jnp.float32),
            pltpu.VMEM((2, _NUM_EXPERTS), jnp.float32),
        ],
        compiler_params=pltpu.CompilerParams(needs_layout_passes=False),
    )
    def route(logits_hbm, gates_hbm, parts_hbm, log_v, out_v, part_v):
        wid = lax.axis_index("s") * 2 + lax.axis_index("c")
        base = wid * tpw
        pltpu.sync_copy(logits_hbm.at[pl.ds(base, tpw), :], log_v)

        lane = lax.iota(jnp.int32, _L)
        zeros = jnp.zeros((_L,), jnp.float32)
        ones = jnp.ones((_L,), jnp.float32)
        neg_inf = jnp.full((_L,), -jnp.inf, jnp.float32)

        part_v[0, :] = zeros
        part_v[1, :] = zeros

        def group_body(g, _):
            row = g * _L + lane
            m1 = plsc.load_gather(log_v, [row, jnp.zeros((_L,), jnp.int32)])
            e1 = jnp.zeros((_L,), jnp.int32)
            m2 = neg_inf
            e2 = jnp.zeros((_L,), jnp.int32)
            for e in range(1, _NUM_EXPERTS):
                ev = jnp.full((_L,), e, jnp.int32)
                lv = plsc.load_gather(log_v, [row, ev])
                new1 = lv > m1
                new2 = jnp.logical_and(jnp.logical_not(new1), lv > m2)
                m2 = jnp.where(new1, m1, jnp.where(new2, lv, m2))
                e2 = jnp.where(new1, e1, jnp.where(new2, ev, e2))
                m1 = jnp.where(new1, lv, m1)
                e1 = jnp.where(new1, ev, e1)

            d = jnp.exp(m2 - m1)
            s = ones + d
            g1 = ones / s
            g2 = d / s

            for j in range(_L):
                out_v[g * _L + j, :] = zeros
            plsc.addupdate_scatter(out_v, [row, e1], g1)
            plsc.addupdate_scatter(out_v, [row, e2], g2)

            plsc.addupdate_scatter(part_v, [jnp.zeros((_L,), jnp.int32), e1],
                                   g1)
            plsc.addupdate_scatter(part_v, [jnp.zeros((_L,), jnp.int32), e2],
                                   g2)
            plsc.addupdate_scatter(part_v, [jnp.ones((_L,), jnp.int32), e1],
                                   ones)
            plsc.addupdate_scatter(part_v, [jnp.ones((_L,), jnp.int32), e2],
                                   jnp.where(g2 > 0.0, ones, zeros))
            return 0

        lax.fori_loop(0, n_groups, group_body, 0)
        pltpu.sync_copy(out_v, gates_hbm.at[pl.ds(base, tpw), :])
        pltpu.sync_copy(part_v.at[pl.ds(0, 1), :],
                        parts_hbm.at[pl.ds(wid, 1), :])
        pltpu.sync_copy(part_v.at[pl.ds(1, 1), :],
                        parts_hbm.at[pl.ds(_NW + wid, 1), :])

    return route


def _combine_body(p_ref, aux_ref):
    n_blocks = p_ref.shape[0] // (2 * _NW)
    imp = jnp.zeros((_NUM_EXPERTS,), jnp.float32)
    ld = jnp.zeros((_NUM_EXPERTS,), jnp.float32)
    for b in range(n_blocks):
        o = b * 2 * _NW
        imp = imp + jnp.sum(p_ref[o:o + _NW, :], axis=0)
        ld = ld + jnp.sum(p_ref[o + _NW:o + 2 * _NW, :], axis=0)
    ne = float(_NUM_EXPERTS)
    imp_mean = jnp.sum(imp) / ne
    ld_mean = jnp.sum(ld) / ne
    imp_var = jnp.sum((imp - imp_mean) ** 2) / (ne - 1.0)
    ld_var = jnp.sum((ld - ld_mean) ** 2) / (ne - 1.0)
    aux_ref[0, 0] = _COEF * (imp_var / (imp_mean * imp_mean + _EPS)
                             + ld_var / (ld_mean * ld_mean + _EPS))


def _tc_combine(parts):
    return pl.pallas_call(
        _combine_body,
        out_specs=pl.BlockSpec(memory_space=pltpu.SMEM),
        out_shape=jax.ShapeDtypeStruct((1, 1), jnp.float32),
    )(parts)


def kernel(x, w_gate):
    n_tokens, _ = x.shape
    n_chunks = 2
    ct = n_tokens // n_chunks
    route = _make_sc_route(ct)
    gates_chunks = []
    parts_chunks = []
    for c in range(n_chunks):
        logits_c = _tc_logits(lax.slice_in_dim(x, c * ct, (c + 1) * ct), w_gate)
        g_c, p_c = route(logits_c)
        gates_chunks.append(g_c)
        parts_chunks.append(p_c)
    gates = jnp.concatenate(gates_chunks, axis=0)
    parts = jnp.concatenate(parts_chunks, axis=0)
    aux = _tc_combine(parts)
    return gates, aux.reshape(())

# --- scband reference (transcript-rebuilt; emitter-appended) ---
"""Pipeline reference for scband-encoder-overall-35888746725565 (READ-ONLY COPY).

The authoritative reference and input builder live on the scoring server;
editing this copy changes nothing except your own understanding.
"""

import jax, jax.numpy as jnp
import numpy as np

NUM_EXPERTS = 16
K = 2
COEF = 0.01
D_MODEL = 1024
N_TOKENS = 8192


def setup_inputs(seed: int = 0) -> dict:
    key = jax.random.key(seed)
    k1, k2 = jax.random.split(key)
    x = jax.random.normal(k1, (N_TOKENS, D_MODEL), dtype=jnp.float32)
    # learned gating parameter (torch inits to zeros; use small random for a
    # non-degenerate routing distribution)
    w_gate = jax.random.normal(k2, (D_MODEL, NUM_EXPERTS), dtype=jnp.float32) * 0.02
    return {"x": x, "w_gate": w_gate}


def _cv_squared(v):
    eps = 1e-10
    v = v.astype(jnp.float32)
    if v.shape[0] == 1:
        return jnp.zeros((), dtype=jnp.float32)
    # torch .var() is unbiased (ddof=1)
    return jnp.var(v, ddof=1) / (jnp.mean(v) ** 2 + eps)


def reference(x, w_gate):
    # noisy_top_k_gating with train=False (eval path: no noise injected)
    clean_logits = x @ w_gate
    logits = clean_logits
    m = min(K + 1, NUM_EXPERTS)
    top_logits, top_indices = jax.lax.top_k(logits, m)
    top_k_logits = top_logits[:, :K]
    top_k_indices = top_indices[:, :K]
    top_k_gates = jax.nn.softmax(top_k_logits, axis=1)
    zeros = jnp.zeros_like(logits)
    rows = jnp.arange(logits.shape[0])[:, None]
    gates = zeros.at[rows, top_k_indices].set(top_k_gates)
    # load = number of examples routed to each expert (eval branch: _gates_to_load)
    load = (gates > 0).sum(axis=0).astype(jnp.float32)
    importance = gates.sum(axis=0)
    aux_loss = COEF * (_cv_squared(importance) + _cv_squared(load))
    return gates, aux_loss

if __name__ == "__main__":
    import jax
    _d = setup_inputs()
    print(jax.jit(kernel)(*tuple(_d.values())))

</pallas_src>

<mosaic_0001>
#map = affine_map<(d0, d1) -> (0, 0)>
module attributes {stable_mosaic.version = 14 : i64} {
  func.func @route(%arg0: i32, %arg1: i32, %arg2: memref<4096x16xf32, #tpu.memory_space<hbm>>, %arg3: memref<4096x16xf32, #tpu.memory_space<hbm>>, %arg4: memref<64x16xf32, #tpu.memory_space<hbm>>, %arg5: memref<128x16xf32, #tpu.memory_space<vmem>>, %arg6: memref<128x16xf32, #tpu.memory_space<vmem>>, %arg7: memref<2x16xf32, #tpu.memory_space<vmem>>) attributes {dimension_semantics = [#tpu.dimension_semantics<core_parallel>, #tpu.dimension_semantics<subcore_parallel>], iteration_bounds = array<i64: 2, 16>, scalar_prefetch = 0 : i64, scratch_operands = 3 : i64, tpu.core_type = #tpu.core_type<sc_vector_subcore>, window_params = [{transform_indices = #map}, {transform_indices = #map}, {transform_indices = #map}]} {
    %mul3A = arith.constant 2 : i32
    %mul3A_0 = arith.muli %arg1, %mul3A : i32
    %add3A = arith.addi %mul3A_0, %arg0 : i32
    %mul3A_1 = arith.constant 128 : i32
    %mul3A_2 = arith.muli %add3A, %mul3A_1 : i32
    "tpu.region"() ({
      %run_scoped3A = tpu.sem_alloc : memref<!tpu.dma_semaphore, #tpu.memory_space<semaphore_mem>>
      %dma_start3A = arith.constant 0 : i32
      %dma_start3A_23 = tpu.memref_slice %arg2[%mul3A_2, %dma_start3A] : memref<4096x16xf32, #tpu.memory_space<hbm>> -> memref<128x16xf32, #tpu.memory_space<hbm>>
      %dma_start3A_24 = arith.constant 0 : i32
      %dma_start3A_25 = tpu.memref_slice %arg2[%mul3A_2, %dma_start3A_24] : memref<4096x16xf32, #tpu.memory_space<hbm>> -> memref<128x16xf32, #tpu.memory_space<hbm>>
      tpu.enqueue_dma source(%dma_start3A_25 : memref<128x16xf32, #tpu.memory_space<hbm>>) target(%arg5 : memref<128x16xf32, #tpu.memory_space<vmem>>) target_semaphore(%run_scoped3A : memref<!tpu.dma_semaphore, #tpu.memory_space<semaphore_mem>>)
      %dma_wait3A = arith.constant 0 : i32
      %dma_wait3A_26 = tpu.memref_slice %arg2[%mul3A_2, %dma_wait3A] : memref<4096x16xf32, #tpu.memory_space<hbm>> -> memref<128x16xf32, #tpu.memory_space<hbm>>
      %dma_wait3A_27 = arith.constant 0 : i32
      %dma_wait3A_28 = tpu.memref_slice %arg2[%mul3A_2, %dma_wait3A_27] : memref<4096x16xf32, #tpu.memory_space<hbm>> -> memref<128x16xf32, #tpu.memory_space<hbm>>
      tpu.wait_dma2 semaphore(%run_scoped3A : memref<!tpu.dma_semaphore, #tpu.memory_space<semaphore_mem>>) src(%dma_wait3A_28 : memref<128x16xf32, #tpu.memory_space<hbm>>) dst(%arg5 : memref<128x16xf32, #tpu.memory_space<vmem>>)
      tpu.yield
    }) : () -> ()
    %iota3A = tpu.iota {dimensions = array<i32: 0>} : vector<16xi32>
    %broadcast_in_dim3A = arith.constant 0.000000e+00 : f32
    %broadcast_in_dim3A_3 = vector.broadcast %broadcast_in_dim3A : f32 to vector<16xf32>
    %broadcast_in_dim3A_4 = arith.constant 1.000000e+00 : f32
    %broadcast_in_dim3A_5 = vector.broadcast %broadcast_in_dim3A_4 : f32 to vector<16xf32>
    %broadcast_in_dim3A_6 = arith.constant 0xFF800000 : f32
    %broadcast_in_dim3A_7 = vector.broadcast %broadcast_in_dim3A_6 : f32 to vector<16xf32>
    %swap3A = arith.constant 0 : i32
    %swap3A_8 = arith.index_cast %swap3A : i32 to index
    %swap3A_9 = arith.constant 0 : index
    %swap3A_10 = tpu.vector_load %arg7[%swap3A_8, %swap3A_9] {strides = array<i32>} : memref<2x16xf32, #tpu.memory_space<vmem>>, vector<16xf32>,
    tpu.vector_store %arg7[%swap3A_8, %swap3A_9], %broadcast_in_dim3A_3 {strides = array<i32>} : memref<2x16xf32, #tpu.memory_space<vmem>>, vector<16xf32>,
    %swap3A_11 = arith.constant 1 : i32
    %swap3A_12 = arith.index_cast %swap3A_11 : i32 to index
    %swap3A_13 = arith.constant 0 : index
    %swap3A_14 = tpu.vector_load %arg7[%swap3A_12, %swap3A_13] {strides = array<i32>} : memref<2x16xf32, #tpu.memory_space<vmem>>, vector<16xf32>,
    tpu.vector_store %arg7[%swap3A_12, %swap3A_13], %broadcast_in_dim3A_3 {strides = array<i32>} : memref<2x16xf32, #tpu.memory_space<vmem>>, vector<16xf32>,
    %scan3A = arith.constant 0 : i32
    %scan3A_15 = arith.constant 0 : i32
    %scan3A_16 = arith.constant 8 : i32
    %scan3A_17 = arith.addi %scan3A_15, %scan3A_16 : i32
    %scan3A_18 = arith.constant 1 : i32
    %scan3A_19 = scf.for %scan3A_23 = %scan3A_15 to %scan3A_17 step %scan3A_18 iter_args(%scan3A_24 = %scan3A) -> (i32)  : i32 {
      %mul3A_25 = arith.constant 16 : i32
      %mul3A_26 = arith.muli %scan3A_23, %mul3A_25 : i32
      %add3A_27 = vector.broadcast %mul3A_26 : i32 to vector<16xi32>
      %add3A_28 = arith.addi %add3A_27, %iota3A : vector<16xi32>
      %broadcast_in_dim3A_29 = arith.constant 0 : i32
      %broadcast_in_dim3A_30 = vector.broadcast %broadcast_in_dim3A_29 : i32 to vector<16xi32>
      %gather3A = tpu.vector_load_idx %arg5[%add3A_28, %broadcast_in_dim3A_30] : memref<128x16xf32, #tpu.memory_space<vmem>>[vector<16xi32>, vector<16xi32>], vector<16xf32>,
      %broadcast_in_dim3A_31 = arith.constant 0 : i32
      %broadcast_in_dim3A_32 = vector.broadcast %broadcast_in_dim3A_31 : i32 to vector<16xi32>
      %broadcast_in_dim3A_33 = arith.constant 0 : i32
      %broadcast_in_dim3A_34 = vector.broadcast %broadcast_in_dim3A_33 : i32 to vector<16xi32>
      %broadcast_in_dim3A_35 = arith.constant 1 : i32
      %broadcast_in_dim3A_36 = vector.broadcast %broadcast_in_dim3A_35 : i32 to vector<16xi32>
      %gather3A_37 = tpu.vector_load_idx %arg5[%add3A_28, %broadcast_in_dim3A_36] : memref<128x16xf32, #tpu.memory_space<vmem>>[vector<16xi32>, vector<16xi32>], vector<16xf32>,
      %gt3A = arith.cmpf ogt, %gather3A_37, %gather3A : vector<16xf32>
      %not3A = arith.constant dense<true> : vector<16xi1>
      %not3A_38 = arith.xori %gt3A, %not3A : vector<16xi1>
      %gt3A_39 = arith.cmpf ogt, %gather3A_37, %broadcast_in_dim3A_7 : vector<16xf32>
      %and3A = arith.andi %not3A_38, %gt3A_39 : vector<16xi1>
      %select_n3A = arith.select %and3A, %gather3A_37, %broadcast_in_dim3A_7 : vector<16xi1>, vector<16xf32>
      %select_n3A_40 = arith.select %gt3A, %gather3A, %select_n3A : vector<16xi1>, vector<16xf32>
      %select_n3A_41 = arith.select %and3A, %broadcast_in_dim3A_36, %broadcast_in_dim3A_34 : vector<16xi1>, vector<16xi32>
      %select_n3A_42 = arith.select %gt3A, %broadcast_in_dim3A_32, %select_n3A_41 : vector<16xi1>, vector<16xi32>
      %select_n3A_43 = arith.select %gt3A, %gather3A_37, %gather3A : vector<16xi1>, vector<16xf32>
      %select_n3A_44 = arith.select %gt3A, %broadcast_in_dim3A_36, %broadcast_in_dim3A_32 : vector<16xi1>, vector<16xi32>
      %broadcast_in_dim3A_45 = arith.constant 2 : i32
      %broadcast_in_dim3A_46 = vector.broadcast %broadcast_in_dim3A_45 : i32 to vector<16xi32>
      %gather3A_47 = tpu.vector_load_idx %arg5[%add3A_28, %broadcast_in_dim3A_46] : memref<128x16xf32, #tpu.memory_space<vmem>>[vector<16xi32>, vector<16xi32>], vector<16xf32>,
      %gt3A_48 = arith.cmpf ogt, %gather3A_47, %select_n3A_43 : vector<16xf32>
      %not3A_49 = arith.constant dense<true> : vector<16xi1>
      %not3A_50 = arith.xori %gt3A_48, %not3A_49 : vector<16xi1>
      %gt3A_51 = arith.cmpf ogt, %gather3A_47, %select_n3A_40 : vector<16xf32>
      %and3A_52 = arith.andi %not3A_50, %gt3A_51 : vector<16xi1>
      %select_n3A_53 = arith.select %and3A_52, %gather3A_47, %select_n3A_40 : vector<16xi1>, vector<16xf32>
      %select_n3A_54 = arith.select %gt3A_48, %select_n3A_43, %select_n3A_53 : vector<16xi1>, vector<16xf32>
      %select_n3A_55 = arith.select %and3A_52, %broadcast_in_dim3A_46, %select_n3A_42 : vector<16xi1>, vector<16xi32>
      %select_n3A_56 = arith.select %gt3A_48, %select_n3A_44, %select_n3A_55 : vector<16xi1>, vector<16xi32>
      %select_n3A_57 = arith.select %gt3A_48, %gather3A_47, %select_n3A_43 : vector<16xi1>, vector<16xf32>
      %select_n3A_58 = arith.select %gt3A_48, %broadcast_in_dim3A_46, %select_n3A_44 : vector<16xi1>, vector<16xi32>
      %broadcast_in_dim3A_59 = arith.constant 3 : i32
      %broadcast_in_dim3A_60 = vector.broadcast %broadcast_in_dim3A_59 : i32 to vector<16xi32>
      %gather3A_61 = tpu.vector_load_idx %arg5[%add3A_28, %broadcast_in_dim3A_60] : memref<128x16xf32, #tpu.memory_space<vmem>>[vector<16xi32>, vector<16xi32>], vector<16xf32>,
      %gt3A_62 = arith.cmpf ogt, %gather3A_61, %select_n3A_57 : vector<16xf32>
      %not3A_63 = arith.constant dense<true> : vector<16xi1>
      %not3A_64 = arith.xori %gt3A_62, %not3A_63 : vector<16xi1>
      %gt3A_65 = arith.cmpf ogt, %gather3A_61, %select_n3A_54 : vector<16xf32>
      %and3A_66 = arith.andi %not3A_64, %gt3A_65 : vector<16xi1>
      %select_n3A_67 = arith.select %and3A_66, %gather3A_61, %select_n3A_54 : vector<16xi1>, vector<16xf32>
      %select_n3A_68 = arith.select %gt3A_62, %select_n3A_57, %select_n3A_67 : vector<16xi1>, vector<16xf32>
      %select_n3A_69 = arith.select %and3A_66, %broadcast_in_dim3A_60, %select_n3A_56 : vector<16xi1>, vector<16xi32>
      %select_n3A_70 = arith.select %gt3A_62, %select_n3A_58, %select_n3A_69 : vector<16xi1>, vector<16xi32>
      %select_n3A_71 = arith.select %gt3A_62, %gather3A_61, %select_n3A_57 : vector<16xi1>, vector<16xf32>
      %select_n3A_72 = arith.select %gt3A_62, %broadcast_in_dim3A_60, %select_n3A_58 : vector<16xi1>, vector<16xi32>
      %broadcast_in_dim3A_73 = arith.constant 4 : i32
      %broadcast_in_dim3A_74 = vector.broadcast %broadcast_in_dim3A_73 : i32 to vector<16xi32>
      %gather3A_75 = tpu.vector_load_idx %arg5[%add3A_28, %broadcast_in_dim3A_74] : memref<128x16xf32, #tpu.memory_space<vmem>>[vector<16xi32>, vector<16xi32>], vector<16xf32>,
      %gt3A_76 = arith.cmpf ogt, %gather3A_75, %select_n3A_71 : vector<16xf32>
      %not3A_77 = arith.constant dense<true> : vector<16xi1>
      %not3A_78 = arith.xori %gt3A_76, %not3A_77 : vector<16xi1>
      %gt3A_79 = arith.cmpf ogt, %gather3A_75, %select_n3A_68 : vector<16xf32>
      %and3A_80 = arith.andi %not3A_78, %gt3A_79 : vector<16xi1>
      %select_n3A_81 = arith.select %and3A_80, %gather3A_75, %select_n3A_68 : vector<16xi1>, vector<16xf32>
      %select_n3A_82 = arith.select %gt3A_76, %select_n3A_71, %select_n3A_81 : vector<16xi1>, vector<16xf32>
      %select_n3A_83 = arith.select %and3A_80, %broadcast_in_dim3A_74, %select_n3A_70 : vector<16xi1>, vector<16xi32>
      %select_n3A_84 = arith.select %gt3A_76, %select_n3A_72, %select_n3A_83 : vector<16xi1>, vector<16xi32>
      %select_n3A_85 = arith.select %gt3A_76, %gather3A_75, %select_n3A_71 : vector<16xi1>, vector<16xf32>
      %select_n3A_86 = arith.select %gt3A_76, %broadcast_in_dim3A_74, %select_n3A_72 : vector<16xi1>, vector<16xi32>
      %broadcast_in_dim3A_87 = arith.constant 5 : i32
      %broadcast_in_dim3A_88 = vector.broadcast %broadcast_in_dim3A_87 : i32 to vector<16xi32>
      %gather3A_89 = tpu.vector_load_idx %arg5[%add3A_28, %broadcast_in_dim3A_88] : memref<128x16xf32, #tpu.memory_space<vmem>>[vector<16xi32>, vector<16xi32>], vector<16xf32>,
      %gt3A_90 = arith.cmpf ogt, %gather3A_89, %select_n3A_85 : vector<16xf32>
      %not3A_91 = arith.constant dense<true> : vector<16xi1>
      %not3A_92 = arith.xori %gt3A_90, %not3A_91 : vector<16xi1>
      %gt3A_93 = arith.cmpf ogt, %gather3A_89, %select_n3A_82 : vector<16xf32>
      %and3A_94 = arith.andi %not3A_92, %gt3A_93 : vector<16xi1>
      %select_n3A_95 = arith.select %and3A_94, %gather3A_89, %select_n3A_82 : vector<16xi1>, vector<16xf32>
      %select_n3A_96 = arith.select %gt3A_90, %select_n3A_85, %select_n3A_95 : vector<16xi1>, vector<16xf32>
      %select_n3A_97 = arith.select %and3A_94, %broadcast_in_dim3A_88, %select_n3A_84 : vector<16xi1>, vector<16xi32>
      %select_n3A_98 = arith.select %gt3A_90, %select_n3A_86, %select_n3A_97 : vector<16xi1>, vector<16xi32>
      %select_n3A_99 = arith.select %gt3A_90, %gather3A_89, %select_n3A_85 : vector<16xi1>, vector<16xf32>
      %select_n3A_100 = arith.select %gt3A_90, %broadcast_in_dim3A_88, %select_n3A_86 : vector<16xi1>, vector<16xi32>
      %broadcast_in_dim3A_101 = arith.constant 6 : i32
      %broadcast_in_dim3A_102 = vector.broadcast %broadcast_in_dim3A_101 : i32 to vector<16xi32>
      %gather3A_103 = tpu.vector_load_idx %arg5[%add3A_28, %broadcast_in_dim3A_102] : memref<128x16xf32, #tpu.memory_space<vmem>>[vector<16xi32>, vector<16xi32>], vector<16xf32>,
      %gt3A_104 = arith.cmpf ogt, %gather3A_103, %select_n3A_99 : vector<16xf32>
      %not3A_105 = arith.constant dense<true> : vector<16xi1>
      %not3A_106 = arith.xori %gt3A_104, %not3A_105 : vector<16xi1>
      %gt3A_107 = arith.cmpf ogt, %gather3A_103, %select_n3A_96 : vector<16xf32>
      %and3A_108 = arith.andi %not3A_106, %gt3A_107 : vector<16xi1>
      %select_n3A_109 = arith.select %and3A_108, %gather3A_103, %select_n3A_96 : vector<16xi1>, vector<16xf32>
      %select_n3A_110 = arith.select %gt3A_104, %select_n3A_99, %select_n3A_109 : vector<16xi1>, vector<16xf32>
      %select_n3A_111 = arith.select %and3A_108, %broadcast_in_dim3A_102, %select_n3A_98 : vector<16xi1>, vector<16xi32>
      %select_n3A_112 = arith.select %gt3A_104, %select_n3A_100, %select_n3A_111 : vector<16xi1>, vector<16xi32>
      %select_n3A_113 = arith.select %gt3A_104, %gather3A_103, %select_n3A_99 : vector<16xi1>, vector<16xf32>
      %select_n3A_114 = arith.select %gt3A_104, %broadcast_in_dim3A_102, %select_n3A_100 : vector<16xi1>, vector<16xi32>
      %broadcast_in_dim3A_115 = arith.constant 7 : i32
      %broadcast_in_dim3A_116 = vector.broadcast %broadcast_in_dim3A_115 : i32 to vector<16xi32>
      %gather3A_117 = tpu.vector_load_idx %arg5[%add3A_28, %broadcast_in_dim3A_116] : memref<128x16xf32, #tpu.memory_space<vmem>>[vector<16xi32>, vector<16xi32>], vector<16xf32>,
      %gt3A_118 = arith.cmpf ogt, %gather3A_117, %select_n3A_113 : vector<16xf32>
      %not3A_119 = arith.constant dense<true> : vector<16xi1>
      %not3A_120 = arith.xori %gt3A_118, %not3A_119 : vector<16xi1>
      %gt3A_121 = arith.cmpf ogt, %gather3A_117, %select_n3A_110 : vector<16xf32>
      %and3A_122 = arith.andi %not3A_120, %gt3A_121 : vector<16xi1>
      %select_n3A_123 = arith.select %and3A_122, %gather3A_117, %select_n3A_110 : vector<16xi1>, vector<16xf32>
      %select_n3A_124 = arith.select %gt3A_118, %select_n3A_113, %select_n3A_123 : vector<16xi1>, vector<16xf32>
      %select_n3A_125 = arith.select %and3A_122, %broadcast_in_dim3A_116, %select_n3A_112 : vector<16xi1>, vector<16xi32>
      %select_n3A_126 = arith.select %gt3A_118, %select_n3A_114, %select_n3A_125 : vector<16xi1>, vector<16xi32>
      %select_n3A_127 = arith.select %gt3A_118, %gather3A_117, %select_n3A_113 : vector<16xi1>, vector<16xf32>
      %select_n3A_128 = arith.select %gt3A_118, %broadcast_in_dim3A_116, %select_n3A_114 : vector<16xi1>, vector<16xi32>
      %broadcast_in_dim3A_129 = arith.constant 8 : i32
      %broadcast_in_dim3A_130 = vector.broadcast %broadcast_in_dim3A_129 : i32 to vector<16xi32>
      %gather3A_131 = tpu.vector_load_idx %arg5[%add3A_28, %broadcast_in_dim3A_130] : memref<128x16xf32, #tpu.memory_space<vmem>>[vector<16xi32>, vector<16xi32>], vector<16xf32>,
      %gt3A_132 = arith.cmpf ogt, %gather3A_131, %select_n3A_127 : vector<16xf32>
      %not3A_133 = arith.constant dense<true> : vector<16xi1>
      %not3A_134 = arith.xori %gt3A_132, %not3A_133 : vector<16xi1>
      %gt3A_135 = arith.cmpf ogt, %gather3A_131, %select_n3A_124 : vector<16xf32>
      %and3A_136 = arith.andi %not3A_134, %gt3A_135 : vector<16xi1>
      %select_n3A_137 = arith.select %and3A_136, %gather3A_131, %select_n3A_124 : vector<16xi1>, vector<16xf32>
      %select_n3A_138 = arith.select %gt3A_132, %select_n3A_127, %select_n3A_137 : vector<16xi1>, vector<16xf32>
      %select_n3A_139 = arith.select %and3A_136, %broadcast_in_dim3A_130, %select_n3A_126 : vector<16xi1>, vector<16xi32>
      %select_n3A_140 = arith.select %gt3A_132, %select_n3A_128, %select_n3A_139 : vector<16xi1>, vector<16xi32>
      %select_n3A_141 = arith.select %gt3A_132, %gather3A_131, %select_n3A_127 : vector<16xi1>, vector<16xf32>
      %select_n3A_142 = arith.select %gt3A_132, %broadcast_in_dim3A_130, %select_n3A_128 : vector<16xi1>, vector<16xi32>
      %broadcast_in_dim3A_143 = arith.constant 9 : i32
      %broadcast_in_dim3A_144 = vector.broadcast %broadcast_in_dim3A_143 : i32 to vector<16xi32>
      %gather3A_145 = tpu.vector_load_idx %arg5[%add3A_28, %broadcast_in_dim3A_144] : memref<128x16xf32, #tpu.memory_space<vmem>>[vector<16xi32>, vector<16xi32>], vector<16xf32>,
      %gt3A_146 = arith.cmpf ogt, %gather3A_145, %select_n3A_141 : vector<16xf32>
      %not3A_147 = arith.constant dense<true> : vector<16xi1>
      %not3A_148 = arith.xori %gt3A_146, %not3A_147 : vector<16xi1>
      %gt3A_149 = arith.cmpf ogt, %gather3A_145, %select_n3A_138 : vector<16xf32>
      %and3A_150 = arith.andi %not3A_148, %gt3A_149 : vector<16xi1>
      %select_n3A_151 = arith.select %and3A_150, %gather3A_145, %select_n3A_138 : vector<16xi1>, vector<16xf32>
      %select_n3A_152 = arith.select %gt3A_146, %select_n3A_141, %select_n3A_151 : vector<16xi1>, vector<16xf32>
      %select_n3A_153 = arith.select %and3A_150, %broadcast_in_dim3A_144, %select_n3A_140 : vector<16xi1>, vector<16xi32>
      %select_n3A_154 = arith.select %gt3A_146, %select_n3A_142, %select_n3A_153 : vector<16xi1>, vector<16xi32>
      %select_n3A_155 = arith.select %gt3A_146, %gather3A_145, %select_n3A_141 : vector<16xi1>, vector<16xf32>
      %select_n3A_156 = arith.select %gt3A_146, %broadcast_in_dim3A_144, %select_n3A_142 : vector<16xi1>, vector<16xi32>
      %broadcast_in_dim3A_157 = arith.constant 10 : i32
      %broadcast_in_dim3A_158 = vector.broadcast %broadcast_in_dim3A_157 : i32 to vector<16xi32>
      %gather3A_159 = tpu.vector_load_idx %arg5[%add3A_28, %broadcast_in_dim3A_158] : memref<128x16xf32, #tpu.memory_space<vmem>>[vector<16xi32>, vector<16xi32>], vector<16xf32>,
      %gt3A_160 = arith.cmpf ogt, %gather3A_159, %select_n3A_155 : vector<16xf32>
      %not3A_161 = arith.constant dense<true> : vector<16xi1>
      %not3A_162 = arith.xori %gt3A_160, %not3A_161 : vector<16xi1>
      %gt3A_163 = arith.cmpf ogt, %gather3A_159, %select_n3A_152 : vector<16xf32>
      %and3A_164 = arith.andi %not3A_162, %gt3A_163 : vector<16xi1>
      %select_n3A_165 = arith.select %and3A_164, %gather3A_159, %select_n3A_152 : vector<16xi1>, vector<16xf32>
      %select_n3A_166 = arith.select %gt3A_160, %select_n3A_155, %select_n3A_165 : vector<16xi1>, vector<16xf32>
      %select_n3A_167 = arith.select %and3A_164, %broadcast_in_dim3A_158, %select_n3A_154 : vector<16xi1>, vector<16xi32>
      %select_n3A_168 = arith.select %gt3A_160, %select_n3A_156, %select_n3A_167 : vector<16xi1>, vector<16xi32>
      %select_n3A_169 = arith.select %gt3A_160, %gather3A_159, %select_n3A_155 : vector<16xi1>, vector<16xf32>
      %select_n3A_170 = arith.select %gt3A_160, %broadcast_in_dim3A_158, %select_n3A_156 : vector<16xi1>, vector<16xi32>
      %broadcast_in_dim3A_171 = arith.constant 11 : i32
      %broadcast_in_dim3A_172 = vector.broadcast %broadcast_in_dim3A_171 : i32 to vector<16xi32>
      %gather3A_173 = tpu.vector_load_idx %arg5[%add3A_28, %broadcast_in_dim3A_172] : memref<128x16xf32, #tpu.memory_space<vmem>>[vector<16xi32>, vector<16xi32>], vector<16xf32>,
      %gt3A_174 = arith.cmpf ogt, %gather3A_173, %select_n3A_169 : vector<16xf32>
      %not3A_175 = arith.constant dense<true> : vector<16xi1>
      %not3A_176 = arith.xori %gt3A_174, %not3A_175 : vector<16xi1>
      %gt3A_177 = arith.cmpf ogt, %gather3A_173, %select_n3A_166 : vector<16xf32>
      %and3A_178 = arith.andi %not3A_176, %gt3A_177 : vector<16xi1>
      %select_n3A_179 = arith.select %and3A_178, %gather3A_173, %select_n3A_166 : vector<16xi1>, vector<16xf32>
      %select_n3A_180 = arith.select %gt3A_174, %select_n3A_169, %select_n3A_179 : vector<16xi1>, vector<16xf32>
      %select_n3A_181 = arith.select %and3A_178, %broadcast_in_dim3A_172, %select_n3A_168 : vector<16xi1>, vector<16xi32>
      %select_n3A_182 = arith.select %gt3A_174, %select_n3A_170, %select_n3A_181 : vector<16xi1>, vector<16xi32>
      %select_n3A_183 = arith.select %gt3A_174, %gather3A_173, %select_n3A_169 : vector<16xi1>, vector<16xf32>
      %select_n3A_184 = arith.select %gt3A_174, %broadcast_in_dim3A_172, %select_n3A_170 : vector<16xi1>, vector<16xi32>
      %broadcast_in_dim3A_185 = arith.constant 12 : i32
      %broadcast_in_dim3A_186 = vector.broadcast %broadcast_in_dim3A_185 : i32 to vector<16xi32>
      %gather3A_187 = tpu.vector_load_idx %arg5[%add3A_28, %broadcast_in_dim3A_186] : memref<128x16xf32, #tpu.memory_space<vmem>>[vector<16xi32>, vector<16xi32>], vector<16xf32>,
      %gt3A_188 = arith.cmpf ogt, %gather3A_187, %select_n3A_183 : vector<16xf32>
      %not3A_189 = arith.constant dense<true> : vector<16xi1>
      %not3A_190 = arith.xori %gt3A_188, %not3A_189 : vector<16xi1>
      %gt3A_191 = arith.cmpf ogt, %gather3A_187, %select_n3A_180 : vector<16xf32>
      %and3A_192 = arith.andi %not3A_190, %gt3A_191 : vector<16xi1>
      %select_n3A_193 = arith.select %and3A_192, %gather3A_187, %select_n3A_180 : vector<16xi1>, vector<16xf32>
      %select_n3A_194 = arith.select %gt3A_188, %select_n3A_183, %select_n3A_193 : vector<16xi1>, vector<16xf32>
      %select_n3A_195 = arith.select %and3A_192, %broadcast_in_dim3A_186, %select_n3A_182 : vector<16xi1>, vector<16xi32>
      %select_n3A_196 = arith.select %gt3A_188, %select_n3A_184, %select_n3A_195 : vector<16xi1>, vector<16xi32>
      %select_n3A_197 = arith.select %gt3A_188, %gather3A_187, %select_n3A_183 : vector<16xi1>, vector<16xf32>
      %select_n3A_198 = arith.select %gt3A_188, %broadcast_in_dim3A_186, %select_n3A_184 : vector<16xi1>, vector<16xi32>
      %broadcast_in_dim3A_199 = arith.constant 13 : i32
      %broadcast_in_dim3A_200 = vector.broadcast %broadcast_in_dim3A_199 : i32 to vector<16xi32>
      %gather3A_201 = tpu.vector_load_idx %arg5[%add3A_28, %broadcast_in_dim3A_200] : memref<128x16xf32, #tpu.memory_space<vmem>>[vector<16xi32>, vector<16xi32>], vector<16xf32>,
      %gt3A_202 = arith.cmpf ogt, %gather3A_201, %select_n3A_197 : vector<16xf32>
      %not3A_203 = arith.constant dense<true> : vector<16xi1>
      %not3A_204 = arith.xori %gt3A_202, %not3A_203 : vector<16xi1>
      %gt3A_205 = arith.cmpf ogt, %gather3A_201, %select_n3A_194 : vector<16xf32>
      %and3A_206 = arith.andi %not3A_204, %gt3A_205 : vector<16xi1>
      %select_n3A_207 = arith.select %and3A_206, %gather3A_201, %select_n3A_194 : vector<16xi1>, vector<16xf32>
      %select_n3A_208 = arith.select %gt3A_202, %select_n3A_197, %select_n3A_207 : vector<16xi1>, vector<16xf32>
      %select_n3A_209 = arith.select %and3A_206, %broadcast_in_dim3A_200, %select_n3A_196 : vector<16xi1>, vector<16xi32>
      %select_n3A_210 = arith.select %gt3A_202, %select_n3A_198, %select_n3A_209 : vector<16xi1>, vector<16xi32>
      %select_n3A_211 = arith.select %gt3A_202, %gather3A_201, %select_n3A_197 : vector<16xi1>, vector<16xf32>
      %select_n3A_212 = arith.select %gt3A_202, %broadcast_in_dim3A_200, %select_n3A_198 : vector<16xi1>, vector<16xi32>
      %broadcast_in_dim3A_213 = arith.constant 14 : i32
      %broadcast_in_dim3A_214 = vector.broadcast %broadcast_in_dim3A_213 : i32 to vector<16xi32>
      %gather3A_215 = tpu.vector_load_idx %arg5[%add3A_28, %broadcast_in_dim3A_214] : memref<128x16xf32, #tpu.memory_space<vmem>>[vector<16xi32>, vector<16xi32>], vector<16xf32>,
      %gt3A_216 = arith.cmpf ogt, %gather3A_215, %select_n3A_211 : vector<16xf32>
      %not3A_217 = arith.constant dense<true> : vector<16xi1>
      %not3A_218 = arith.xori %gt3A_216, %not3A_217 : vector<16xi1>
      %gt3A_219 = arith.cmpf ogt, %gather3A_215, %select_n3A_208 : vector<16xf32>
      %and3A_220 = arith.andi %not3A_218, %gt3A_219 : vector<16xi1>
      %select_n3A_221 = arith.select %and3A_220, %gather3A_215, %select_n3A_208 : vector<16xi1>, vector<16xf32>
      %select_n3A_222 = arith.select %gt3A_216, %select_n3A_211, %select_n3A_221 : vector<16xi1>, vector<16xf32>
      %select_n3A_223 = arith.select %and3A_220, %broadcast_in_dim3A_214, %select_n3A_210 : vector<16xi1>, vector<16xi32>
      %select_n3A_224 = arith.select %gt3A_216, %select_n3A_212, %select_n3A_223 : vector<16xi1>, vector<16xi32>
      %select_n3A_225 = arith.select %gt3A_216, %gather3A_215, %select_n3A_211 : vector<16xi1>, vector<16xf32>
      %select_n3A_226 = arith.select %gt3A_216, %broadcast_in_dim3A_214, %select_n3A_212 : vector<16xi1>, vector<16xi32>
      %broadcast_in_dim3A_227 = arith.constant 15 : i32
      %broadcast_in_dim3A_228 = vector.broadcast %broadcast_in_dim3A_227 : i32 to vector<16xi32>
      %gather3A_229 = tpu.vector_load_idx %arg5[%add3A_28, %broadcast_in_dim3A_228] : memref<128x16xf32, #tpu.memory_space<vmem>>[vector<16xi32>, vector<16xi32>], vector<16xf32>,
      %gt3A_230 = arith.cmpf ogt, %gather3A_229, %select_n3A_225 : vector<16xf32>
      %not3A_231 = arith.constant dense<true> : vector<16xi1>
      %not3A_232 = arith.xori %gt3A_230, %not3A_231 : vector<16xi1>
      %gt3A_233 = arith.cmpf ogt, %gather3A_229, %select_n3A_222 : vector<16xf32>
      %and3A_234 = arith.andi %not3A_232, %gt3A_233 : vector<16xi1>
      %select_n3A_235 = arith.select %and3A_234, %gather3A_229, %select_n3A_222 : vector<16xi1>, vector<16xf32>
      %select_n3A_236 = arith.select %gt3A_230, %select_n3A_225, %select_n3A_235 : vector<16xi1>, vector<16xf32>
      %select_n3A_237 = arith.select %and3A_234, %broadcast_in_dim3A_228, %select_n3A_224 : vector<16xi1>, vector<16xi32>
      %select_n3A_238 = arith.select %gt3A_230, %select_n3A_226, %select_n3A_237 : vector<16xi1>, vector<16xi32>
      %select_n3A_239 = arith.select %gt3A_230, %gather3A_229, %select_n3A_225 : vector<16xi1>, vector<16xf32>
      %select_n3A_240 = arith.select %gt3A_230, %broadcast_in_dim3A_228, %select_n3A_226 : vector<16xi1>, vector<16xi32>
      %sub3A = arith.subf %select_n3A_236, %select_n3A_239 : vector<16xf32>
      %exp3A = math.exp %sub3A : vector<16xf32>
      %add3A_241 = arith.addf %broadcast_in_dim3A_5, %exp3A : vector<16xf32>
      %div3A = arith.divf %broadcast_in_dim3A_5, %add3A_241 : vector<16xf32>
      %div3A_242 = arith.divf %exp3A, %add3A_241 : vector<16xf32>
      %mul3A_243 = arith.constant 16 : i32
      %mul3A_244 = arith.muli %scan3A_23, %mul3A_243 : i32
      %add3A_245 = arith.constant 0 : i32
      %add3A_246 = arith.addi %mul3A_244, %add3A_245 : i32
      %swap3A_247 = arith.index_cast %add3A_246 : i32 to index
      %swap3A_248 = arith.constant 0 : index
      %swap3A_249 = tpu.vector_load %arg6[%swap3A_247, %swap3A_248] {strides = array<i32>} : memref<128x16xf32, #tpu.memory_space<vmem>>, vector<16xf32>,
      tpu.vector_store %arg6[%swap3A_247, %swap3A_248], %broadcast_in_dim3A_3 {strides = array<i32>} : memref<128x16xf32, #tpu.memory_space<vmem>>, vector<16xf32>,
      %mul3A_250 = arith.constant 16 : i32
      %mul3A_251 = arith.muli %scan3A_23, %mul3A_250 : i32
      %add3A_252 = arith.constant 1 : i32
      %add3A_253 = arith.addi %mul3A_251, %add3A_252 : i32
      %swap3A_254 = arith.index_cast %add3A_253 : i32 to index
      %swap3A_255 = arith.constant 0 : index
      %swap3A_256 = tpu.vector_load %arg6[%swap3A_254, %swap3A_255] {strides = array<i32>} : memref<128x16xf32, #tpu.memory_space<vmem>>, vector<16xf32>,
      tpu.vector_store %arg6[%swap3A_254, %swap3A_255], %broadcast_in_dim3A_3 {strides = array<i32>} : memref<128x16xf32, #tpu.memory_space<vmem>>, vector<16xf32>,
      %mul3A_257 = arith.constant 16 : i32
      %mul3A_258 = arith.muli %scan3A_23, %mul3A_257 : i32
      %add3A_259 = arith.constant 2 : i32
      %add3A_260 = arith.addi %mul3A_258, %add3A_259 : i32
      %swap3A_261 = arith.index_cast %add3A_260 : i32 to index
      %swap3A_262 = arith.constant 0 : index
      %swap3A_263 = tpu.vector_load %arg6[%swap3A_261, %swap3A_262] {strides = array<i32>} : memref<128x16xf32, #tpu.memory_space<vmem>>, vector<16xf32>,
      tpu.vector_store %arg6[%swap3A_261, %swap3A_262], %broadcast_in_dim3A_3 {strides = array<i32>} : memref<128x16xf32, #tpu.memory_space<vmem>>, vector<16xf32>,
      %mul3A_264 = arith.constant 16 : i32
      %mul3A_265 = arith.muli %scan3A_23, %mul3A_264 : i32
      %add3A_266 = arith.constant 3 : i32
      %add3A_267 = arith.addi %mul3A_265, %add3A_266 : i32
      %swap3A_268 = arith.index_cast %add3A_267 : i32 to index
      %swap3A_269 = arith.constant 0 : index
      %swap3A_270 = tpu.vector_load %arg6[%swap3A_268, %swap3A_269] {strides = array<i32>} : memref<128x16xf32, #tpu.memory_space<vmem>>, vector<16xf32>,
      tpu.vector_store %arg6[%swap3A_268, %swap3A_269], %broadcast_in_dim3A_3 {strides = array<i32>} : memref<128x16xf32, #tpu.memory_space<vmem>>, vector<16xf32>,
      %mul3A_271 = arith.constant 16 : i32
      %mul3A_272 = arith.muli %scan3A_23, %mul3A_271 : i32
      %add3A_273 = arith.constant 4 : i32
      %add3A_274 = arith.addi %mul3A_272, %add3A_273 : i32
      %swap3A_275 = arith.index_cast %add3A_274 : i32 to index
      %swap3A_276 = arith.constant 0 : index
      %swap3A_277 = tpu.vector_load %arg6[%swap3A_275, %swap3A_276] {strides = array<i32>} : memref<128x16xf32, #tpu.memory_space<vmem>>, vector<16xf32>,
      tpu.vector_store %arg6[%swap3A_275, %swap3A_276], %broadcast_in_dim3A_3 {strides = array<i32>} : memref<128x16xf32, #tpu.memory_space<vmem>>, vector<16xf32>,
      %mul3A_278 = arith.constant 16 : i32
      %mul3A_279 = arith.muli %scan3A_23, %mul3A_278 : i32
      %add3A_280 = arith.constant 5 : i32
      %add3A_281 = arith.addi %mul3A_279, %add3A_280 : i32
      %swap3A_282 = arith.index_cast %add3A_281 : i32 to index
      %swap3A_283 = arith.constant 0 : index
      %swap3A_284 = tpu.vector_load %arg6[%swap3A_282, %swap3A_283] {strides = array<i32>} : memref<128x16xf32, #tpu.memory_space<vmem>>, vector<16xf32>,
      tpu.vector_store %arg6[%swap3A_282, %swap3A_283], %broadcast_in_dim3A_3 {strides = array<i32>} : memref<128x16xf32, #tpu.memory_space<vmem>>, vector<16xf32>,
      %mul3A_285 = arith.constant 16 : i32
      %mul3A_286 = arith.muli %scan3A_23, %mul3A_285 : i32
      %add3A_287 = arith.constant 6 : i32
      %add3A_288 = arith.addi %mul3A_286, %add3A_287 : i32
      %swap3A_289 = arith.index_cast %add3A_288 : i32 to index
      %swap3A_290 = arith.constant 0 : index
      %swap3A_291 = tpu.vector_load %arg6[%swap3A_289, %swap3A_290] {strides = array<i32>} : memref<128x16xf32, #tpu.memory_space<vmem>>, vector<16xf32>,
      tpu.vector_store %arg6[%swap3A_289, %swap3A_290], %broadcast_in_dim3A_3 {strides = array<i32>} : memref<128x16xf32, #tpu.memory_space<vmem>>, vector<16xf32>,
      %mul3A_292 = arith.constant 16 : i32
      %mul3A_293 = arith.muli %scan3A_23, %mul3A_292 : i32
      %add3A_294 = arith.constant 7 : i32
      %add3A_295 = arith.addi %mul3A_293, %add3A_294 : i32
      %swap3A_296 = arith.index_cast %add3A_295 : i32 to index
      %swap3A_297 = arith.constant 0 : index
      %swap3A_298 = tpu.vector_load %arg6[%swap3A_296, %swap3A_297] {strides = array<i32>} : memref<128x16xf32, #tpu.memory_space<vmem>>, vector<16xf32>,
      tpu.vector_store %arg6[%swap3A_296, %swap3A_297], %broadcast_in_dim3A_3 {strides = array<i32>} : memref<128x16xf32, #tpu.memory_space<vmem>>, vector<16xf32>,
      %mul3A_299 = arith.constant 16 : i32
      %mul3A_300 = arith.muli %scan3A_23, %mul3A_299 : i32
      %add3A_301 = arith.constant 8 : i32
      %add3A_302 = arith.addi %mul3A_300, %add3A_301 : i32
      %swap3A_303 = arith.index_cast %add3A_302 : i32 to index
      %swap3A_304 = arith.constant 0 : index
      %swap3A_305 = tpu.vector_load %arg6[%swap3A_303, %swap3A_304] {strides = array<i32>} : memref<128x16xf32, #tpu.memory_space<vmem>>, vector<16xf32>,
      tpu.vector_store %arg6[%swap3A_303, %swap3A_304], %broadcast_in_dim3A_3 {strides = array<i32>} : memref<128x16xf32, #tpu.memory_space<vmem>>, vector<16xf32>,
      %mul3A_306 = arith.constant 16 : i32
      %mul3A_307 = arith.muli %scan3A_23, %mul3A_306 : i32
      %add3A_308 = arith.constant 9 : i32
      %add3A_309 = arith.addi %mul3A_307, %add3A_308 : i32
      %swap3A_310 = arith.index_cast %add3A_309 : i32 to index
      %swap3A_311 = arith.constant 0 : index
      %swap3A_312 = tpu.vector_load %arg6[%swap3A_310, %swap3A_311] {strides = array<i32>} : memref<128x16xf32, #tpu.memory_space<vmem>>, vector<16xf32>,
      tpu.vector_store %arg6[%swap3A_310, %swap3A_311], %broadcast_in_dim3A_3 {strides = array<i32>} : memref<128x16xf32, #tpu.memory_space<vmem>>, vector<16xf32>,
      %mul3A_313 = arith.constant 16 : i32
      %mul3A_314 = arith.muli %scan3A_23, %mul3A_313 : i32
      %add3A_315 = arith.constant 10 : i32
      %add3A_316 = arith.addi %mul3A_314, %add3A_315 : i32
      %swap3A_317 = arith.index_cast %add3A_316 : i32 to index
      %swap3A_318 = arith.constant 0 : index
      %swap3A_319 = tpu.vector_load %arg6[%swap3A_317, %swap3A_318] {strides = array<i32>} : memref<128x16xf32, #tpu.memory_space<vmem>>, vector<16xf32>,
      tpu.vector_store %arg6[%swap3A_317, %swap3A_318], %broadcast_in_dim3A_3 {strides = array<i32>} : memref<128x16xf32, #tpu.memory_space<vmem>>, vector<16xf32>,
      %mul3A_320 = arith.constant 16 : i32
      %mul3A_321 = arith.muli %scan3A_23, %mul3A_320 : i32
      %add3A_322 = arith.constant 11 : i32
      %add3A_323 = arith.addi %mul3A_321, %add3A_322 : i32
      %swap3A_324 = arith.index_cast %add3A_323 : i32 to index
      %swap3A_325 = arith.constant 0 : index
      %swap3A_326 = tpu.vector_load %arg6[%swap3A_324, %swap3A_325] {strides = array<i32>} : memref<128x16xf32, #tpu.memory_space<vmem>>, vector<16xf32>,
      tpu.vector_store %arg6[%swap3A_324, %swap3A_325], %broadcast_in_dim3A_3 {strides = array<i32>} : memref<128x16xf32, #tpu.memory_space<vmem>>, vector<16xf32>,
      %mul3A_327 = arith.constant 16 : i32
      %mul3A_328 = arith.muli %scan3A_23, %mul3A_327 : i32
      %add3A_329 = arith.constant 12 : i32
      %add3A_330 = arith.addi %mul3A_328, %add3A_329 : i32
      %swap3A_331 = arith.index_cast %add3A_330 : i32 to index
      %swap3A_332 = arith.constant 0 : index
      %swap3A_333 = tpu.vector_load %arg6[%swap3A_331, %swap3A_332] {strides = array<i32>} : memref<128x16xf32, #tpu.memory_space<vmem>>, vector<16xf32>,
      tpu.vector_store %arg6[%swap3A_331, %swap3A_332], %broadcast_in_dim3A_3 {strides = array<i32>} : memref<128x16xf32, #tpu.memory_space<vmem>>, vector<16xf32>,
      %mul3A_334 = arith.constant 16 : i32
      %mul3A_335 = arith.muli %scan3A_23, %mul3A_334 : i32
      %add3A_336 = arith.constant 13 : i32
      %add3A_337 = arith.addi %mul3A_335, %add3A_336 : i32
      %swap3A_338 = arith.index_cast %add3A_337 : i32 to index
      %swap3A_339 = arith.constant 0 : index
      %swap3A_340 = tpu.vector_load %arg6[%swap3A_338, %swap3A_339] {strides = array<i32>} : memref<128x16xf32, #tpu.memory_space<vmem>>, vector<16xf32>,
      tpu.vector_store %arg6[%swap3A_338, %swap3A_339], %broadcast_in_dim3A_3 {strides = array<i32>} : memref<128x16xf32, #tpu.memory_space<vmem>>, vector<16xf32>,
      %mul3A_341 = arith.constant 16 : i32
      %mul3A_342 = arith.muli %scan3A_23, %mul3A_341 : i32
      %add3A_343 = arith.constant 14 : i32
      %add3A_344 = arith.addi %mul3A_342, %add3A_343 : i32
      %swap3A_345 = arith.index_cast %add3A_344 : i32 to index
      %swap3A_346 = arith.constant 0 : index
      %swap3A_347 = tpu.vector_load %arg6[%swap3A_345, %swap3A_346] {strides = array<i32>} : memref<128x16xf32, #tpu.memory_space<vmem>>, vector<16xf32>,
      tpu.vector_store %arg6[%swap3A_345, %swap3A_346], %broadcast_in_dim3A_3 {strides = array<i32>} : memref<128x16xf32, #tpu.memory_space<vmem>>, vector<16xf32>,
      %mul3A_348 = arith.constant 16 : i32
      %mul3A_349 = arith.muli %scan3A_23, %mul3A_348 : i32
      %add3A_350 = arith.constant 15 : i32
      %add3A_351 = arith.addi %mul3A_349, %add3A_350 : i32
      %swap3A_352 = arith.index_cast %add3A_351 : i32 to index
      %swap3A_353 = arith.constant 0 : index
      %swap3A_354 = tpu.vector_load %arg6[%swap3A_352, %swap3A_353] {strides = array<i32>} : memref<128x16xf32, #tpu.memory_space<vmem>>, vector<16xf32>,
      tpu.vector_store %arg6[%swap3A_352, %swap3A_353], %broadcast_in_dim3A_3 {strides = array<i32>} : memref<128x16xf32, #tpu.memory_space<vmem>>, vector<16xf32>,
      tpu.vector_store_idx %arg6[%add3A_28, %select_n3A_240], %div3A {add = true} : memref<128x16xf32, #tpu.memory_space<vmem>>[vector<16xi32>, vector<16xi32>], vector<16xf32>,
      tpu.vector_store_idx %arg6[%add3A_28, %select_n3A_238], %div3A_242 {add = true} : memref<128x16xf32, #tpu.memory_space<vmem>>[vector<16xi32>, vector<16xi32>], vector<16xf32>,
      %broadcast_in_dim3A_355 = arith.constant 0 : i32
      %broadcast_in_dim3A_356 = vector.broadcast %broadcast_in_dim3A_355 : i32 to vector<16xi32>
      tpu.vector_store_idx %arg7[%broadcast_in_dim3A_356, %select_n3A_240], %div3A {add = true} : memref<2x16xf32, #tpu.memory_space<vmem>>[vector<16xi32>, vector<16xi32>], vector<16xf32>,
      %broadcast_in_dim3A_357 = arith.constant 0 : i32
      %broadcast_in_dim3A_358 = vector.broadcast %broadcast_in_dim3A_357 : i32 to vector<16xi32>
      tpu.vector_store_idx %arg7[%broadcast_in_dim3A_358, %select_n3A_238], %div3A_242 {add = true} : memref<2x16xf32, #tpu.memory_space<vmem>>[vector<16xi32>, vector<16xi32>], vector<16xf32>,
      %broadcast_in_dim3A_359 = arith.constant 1 : i32
      %broadcast_in_dim3A_360 = vector.broadcast %broadcast_in_dim3A_359 : i32 to vector<16xi32>
      tpu.vector_store_idx %arg7[%broadcast_in_dim3A_360, %select_n3A_240], %broadcast_in_dim3A_5 {add = true} : memref<2x16xf32, #tpu.memory_space<vmem>>[vector<16xi32>, vector<16xi32>], vector<16xf32>,
      %broadcast_in_dim3A_361 = arith.constant 1 : i32
      %broadcast_in_dim3A_362 = vector.broadcast %broadcast_in_dim3A_361 : i32 to vector<16xi32>
      %gt3A_363 = arith.constant 0.000000e+00 : f32
      %gt3A_364 = vector.broadcast %gt3A_363 : f32 to vector<16xf32>
      %gt3A_365 = arith.cmpf ogt, %div3A_242, %gt3A_364 : vector<16xf32>
      %select_n3A_366 = arith.select %gt3A_365, %broadcast_in_dim3A_5, %broadcast_in_dim3A_3 : vector<16xi1>, vector<16xf32>
      tpu.vector_store_idx %arg7[%broadcast_in_dim3A_362, %select_n3A_238], %select_n3A_366 {add = true} : memref<2x16xf32, #tpu.memory_space<vmem>>[vector<16xi32>, vector<16xi32>], vector<16xf32>,
      %scan3A_367 = arith.constant 0 : i32
      scf.yield %scan3A_367 : i32
    }
    %scan3A_20 = arith.constant 8 : i32
    "tpu.region"() ({
      %run_scoped3A = tpu.sem_alloc : memref<!tpu.dma_semaphore, #tpu.memory_space<semaphore_mem>>
      %dma_start3A = arith.constant 0 : i32
      %dma_start3A_23 = tpu.memref_slice %arg3[%mul3A_2, %dma_start3A] : memref<4096x16xf32, #tpu.memory_space<hbm>> -> memref<128x16xf32, #tpu.memory_space<hbm>>
      %dma_start3A_24 = arith.constant 0 : i32
      %dma_start3A_25 = tpu.memref_slice %arg3[%mul3A_2, %dma_start3A_24] : memref<4096x16xf32, #tpu.memory_space<hbm>> -> memref<128x16xf32, #tpu.memory_space<hbm>>
      tpu.enqueue_dma source(%arg6 : memref<128x16xf32, #tpu.memory_space<vmem>>) target(%dma_start3A_25 : memref<128x16xf32, #tpu.memory_space<hbm>>) target_semaphore(%run_scoped3A : memref<!tpu.dma_semaphore, #tpu.memory_space<semaphore_mem>>)
      %dma_wait3A = arith.constant 0 : i32
      %dma_wait3A_26 = tpu.memref_slice %arg3[%mul3A_2, %dma_wait3A] : memref<4096x16xf32, #tpu.memory_space<hbm>> -> memref<128x16xf32, #tpu.memory_space<hbm>>
      %dma_wait3A_27 = arith.constant 0 : i32
      %dma_wait3A_28 = tpu.memref_slice %arg3[%mul3A_2, %dma_wait3A_27] : memref<4096x16xf32, #tpu.memory_space<hbm>> -> memref<128x16xf32, #tpu.memory_space<hbm>>
      tpu.wait_dma2 semaphore(%run_scoped3A : memref<!tpu.dma_semaphore, #tpu.memory_space<semaphore_mem>>) src(%arg6 : memref<128x16xf32, #tpu.memory_space<vmem>>) dst(%dma_wait3A_28 : memref<128x16xf32, #tpu.memory_space<hbm>>)
      tpu.yield
    }) : () -> ()
    "tpu.region"() ({
      %run_scoped3A = tpu.sem_alloc : memref<!tpu.dma_semaphore, #tpu.memory_space<semaphore_mem>>
      %dma_start3A = arith.constant 0 : i32
      %dma_start3A_23 = arith.constant 0 : i32
      %dma_start3A_24 = tpu.memref_slice %arg7[%dma_start3A, %dma_start3A_23] : memref<2x16xf32, #tpu.memory_space<vmem>> -> memref<1x16xf32, #tpu.memory_space<vmem>>
      %dma_start3A_25 = arith.constant 0 : i32
      %dma_start3A_26 = tpu.memref_slice %arg4[%add3A, %dma_start3A_25] : memref<64x16xf32, #tpu.memory_space<hbm>> -> memref<1x16xf32, #tpu.memory_space<hbm>>
      %dma_start3A_27 = arith.constant 0 : i32
      %dma_start3A_28 = tpu.memref_slice %arg4[%add3A, %dma_start3A_27] : memref<64x16xf32, #tpu.memory_space<hbm>> -> memref<1x16xf32, #tpu.memory_space<hbm>>
      %dma_start3A_29 = arith.constant 0 : i32
      %dma_start3A_30 = arith.constant 0 : i32
      %dma_start3A_31 = tpu.memref_slice %arg7[%dma_start3A_29, %dma_start3A_30] : memref<2x16xf32, #tpu.memory_space<vmem>> -> memref<1x16xf32, #tpu.memory_space<vmem>>
      tpu.enqueue_dma source(%dma_start3A_31 : memref<1x16xf32, #tpu.memory_space<vmem>>) target(%dma_start3A_28 : memref<1x16xf32, #tpu.memory_space<hbm>>) target_semaphore(%run_scoped3A : memref<!tpu.dma_semaphore, #tpu.memory_space<semaphore_mem>>)
      %dma_wait3A = arith.constant 0 : i32
      %dma_wait3A_32 = arith.constant 0 : i32
      %dma_wait3A_33 = tpu.memref_slice %arg7[%dma_wait3A, %dma_wait3A_32] : memref<2x16xf32, #tpu.memory_space<vmem>> -> memref<1x16xf32, #tpu.memory_space<vmem>>
      %dma_wait3A_34 = arith.constant 0 : i32
      %dma_wait3A_35 = tpu.memref_slice %arg4[%add3A, %dma_wait3A_34] : memref<64x16xf32, #tpu.memory_space<hbm>> -> memref<1x16xf32, #tpu.memory_space<hbm>>
      %dma_wait3A_36 = arith.constant 0 : i32
      %dma_wait3A_37 = tpu.memref_slice %arg4[%add3A, %dma_wait3A_36] : memref<64x16xf32, #tpu.memory_space<hbm>> -> memref<1x16xf32, #tpu.memory_space<hbm>>
      %dma_wait3A_38 = arith.constant 0 : i32
      %dma_wait3A_39 = arith.constant 0 : i32
      %dma_wait3A_40 = tpu.memref_slice %arg7[%dma_wait3A_38, %dma_wait3A_39] : memref<2x16xf32, #tpu.memory_space<vmem>> -> memref<1x16xf32, #tpu.memory_space<vmem>>
      tpu.wait_dma2 semaphore(%run_scoped3A : memref<!tpu.dma_semaphore, #tpu.memory_space<semaphore_mem>>) src(%dma_wait3A_40 : memref<1x16xf32, #tpu.memory_space<vmem>>) dst(%dma_wait3A_37 : memref<1x16xf32, #tpu.memory_space<hbm>>)
      tpu.yield
    }) : () -> ()
    %add3A_21 = arith.constant 32 : i32
    %add3A_22 = arith.addi %add3A_21, %add3A : i32
    "tpu.region"() ({
      %run_scoped3A = tpu.sem_alloc : memref<!tpu.dma_semaphore, #tpu.memory_space<semaphore_mem>>
      %dma_start3A = arith.constant 1 : i32
      %dma_start3A_23 = arith.constant 0 : i32
      %dma_start3A_24 = tpu.memref_slice %arg7[%dma_start3A, %dma_start3A_23] : memref<2x16xf32, #tpu.memory_space<vmem>> -> memref<1x16xf32, #tpu.memory_space<vmem>>
      %dma_start3A_25 = arith.constant 0 : i32
      %dma_start3A_26 = tpu.memref_slice %arg4[%add3A_22, %dma_start3A_25] : memref<64x16xf32, #tpu.memory_space<hbm>> -> memref<1x16xf32, #tpu.memory_space<hbm>>
      %dma_start3A_27 = arith.constant 0 : i32
      %dma_start3A_28 = tpu.memref_slice %arg4[%add3A_22, %dma_start3A_27] : memref<64x16xf32, #tpu.memory_space<hbm>> -> memref<1x16xf32, #tpu.memory_space<hbm>>
      %dma_start3A_29 = arith.constant 1 : i32
      %dma_start3A_30 = arith.constant 0 : i32
      %dma_start3A_31 = tpu.memref_slice %arg7[%dma_start3A_29, %dma_start3A_30] : memref<2x16xf32, #tpu.memory_space<vmem>> -> memref<1x16xf32, #tpu.memory_space<vmem>>
      tpu.enqueue_dma source(%dma_start3A_31 : memref<1x16xf32, #tpu.memory_space<vmem>>) target(%dma_start3A_28 : memref<1x16xf32, #tpu.memory_space<hbm>>) target_semaphore(%run_scoped3A : memref<!tpu.dma_semaphore, #tpu.memory_space<semaphore_mem>>)
      %dma_wait3A = arith.constant 1 : i32
      %dma_wait3A_32 = arith.constant 0 : i32
      %dma_wait3A_33 = tpu.memref_slice %arg7[%dma_wait3A, %dma_wait3A_32] : memref<2x16xf32, #tpu.memory_space<vmem>> -> memref<1x16xf32, #tpu.memory_space<vmem>>
      %dma_wait3A_34 = arith.constant 0 : i32
      %dma_wait3A_35 = tpu.memref_slice %arg4[%add3A_22, %dma_wait3A_34] : memref<64x16xf32, #tpu.memory_space<hbm>> -> memref<1x16xf32, #tpu.memory_space<hbm>>
      %dma_wait3A_36 = arith.constant 0 : i32
      %dma_wait3A_37 = tpu.memref_slice %arg4[%add3A_22, %dma_wait3A_36] : memref<64x16xf32, #tpu.memory_space<hbm>> -> memref<1x16xf32, #tpu.memory_space<hbm>>
      %dma_wait3A_38 = arith.constant 1 : i32
      %dma_wait3A_39 = arith.constant 0 : i32
      %dma_wait3A_40 = tpu.memref_slice %arg7[%dma_wait3A_38, %dma_wait3A_39] : memref<2x16xf32, #tpu.memory_space<vmem>> -> memref<1x16xf32, #tpu.memory_space<vmem>>
      tpu.wait_dma2 semaphore(%run_scoped3A : memref<!tpu.dma_semaphore, #tpu.memory_space<semaphore_mem>>) src(%dma_wait3A_40 : memref<1x16xf32, #tpu.memory_space<vmem>>) dst(%dma_wait3A_37 : memref<1x16xf32, #tpu.memory_space<hbm>>)
      tpu.yield
    }) : () -> ()
    return
  }
}

#map = affine_map<(d0, d1) -> (0, 0)>
module attributes {stable_mosaic.version = 14 : i64} {
  func.func @route(%arg0: i32, %arg1: i32, %arg2: memref<4096x16xf32, #tpu.memory_space<hbm>>, %arg3: memref<4096x16xf32, #tpu.memory_space<hbm>>, %arg4: memref<64x16xf32, #tpu.memory_space<hbm>>, %arg5: memref<128x16xf32, #tpu.memory_space<vmem>>, %arg6: memref<128x16xf32, #tpu.memory_space<vmem>>, %arg7: memref<2x16xf32, #tpu.memory_space<vmem>>) attributes {dimension_semantics = [#tpu.dimension_semantics<core_parallel>, #tpu.dimension_semantics<subcore_parallel>], iteration_bounds = array<i64: 2, 16>, scalar_prefetch = 0 : i64, scratch_operands = 3 : i64, tpu.core_type = #tpu.core_type<sc_vector_subcore>, window_params = [{transform_indices = #map}, {transform_indices = #map}, {transform_indices = #map}]} {
    %mul3A = arith.constant 2 : i32
    %mul3A_0 = arith.muli %arg1, %mul3A : i32
    %add3A = arith.addi %mul3A_0, %arg0 : i32
    %mul3A_1 = arith.constant 128 : i32
    %mul3A_2 = arith.muli %add3A, %mul3A_1 : i32
    "tpu.region"() ({
      %run_scoped3A = tpu.sem_alloc : memref<!tpu.dma_semaphore, #tpu.memory_space<semaphore_mem>>
      %dma_start3A = arith.constant 0 : i32
      %dma_start3A_23 = tpu.memref_slice %arg2[%mul3A_2, %dma_start3A] : memref<4096x16xf32, #tpu.memory_space<hbm>> -> memref<128x16xf32, #tpu.memory_space<hbm>>
      %dma_start3A_24 = arith.constant 0 : i32
      %dma_start3A_25 = tpu.memref_slice %arg2[%mul3A_2, %dma_start3A_24] : memref<4096x16xf32, #tpu.memory_space<hbm>> -> memref<128x16xf32, #tpu.memory_space<hbm>>
      tpu.enqueue_dma source(%dma_start3A_25 : memref<128x16xf32, #tpu.memory_space<hbm>>) target(%arg5 : memref<128x16xf32, #tpu.memory_space<vmem>>) target_semaphore(%run_scoped3A : memref<!tpu.dma_semaphore, #tpu.memory_space<semaphore_mem>>)
      %dma_wait3A = arith.constant 0 : i32
      %dma_wait3A_26 = tpu.memref_slice %arg2[%mul3A_2, %dma_wait3A] : memref<4096x16xf32, #tpu.memory_space<hbm>> -> memref<128x16xf32, #tpu.memory_space<hbm>>
      %dma_wait3A_27 = arith.constant 0 : i32
      %dma_wait3A_28 = tpu.memref_slice %arg2[%mul3A_2, %dma_wait3A_27] : memref<4096x16xf32, #tpu.memory_space<hbm>> -> memref<128x16xf32, #tpu.memory_space<hbm>>
      tpu.wait_dma2 semaphore(%run_scoped3A : memref<!tpu.dma_semaphore, #tpu.memory_space<semaphore_mem>>) src(%dma_wait3A_28 : memref<128x16xf32, #tpu.memory_space<hbm>>) dst(%arg5 : memref<128x16xf32, #tpu.memory_space<vmem>>)
      tpu.yield
    }) : () -> ()
    %iota3A = tpu.iota {dimensions = array<i32: 0>} : vector<16xi32>
    %broadcast_in_dim3A = arith.constant 0.000000e+00 : f32
    %broadcast_in_dim3A_3 = vector.broadcast %broadcast_in_dim3A : f32 to vector<16xf32>
    %broadcast_in_dim3A_4 = arith.constant 1.000000e+00 : f32
    %broadcast_in_dim3A_5 = vector.broadcast %broadcast_in_dim3A_4 : f32 to vector<16xf32>
    %broadcast_in_dim3A_6 = arith.constant 0xFF800000 : f32
    %broadcast_in_dim3A_7 = vector.broadcast %broadcast_in_dim3A_6 : f32 to vector<16xf32>
    %swap3A = arith.constant 0 : i32
    %swap3A_8 = arith.index_cast %swap3A : i32 to index
    %swap3A_9 = arith.constant 0 : index
    %swap3A_10 = tpu.vector_load %arg7[%swap3A_8, %swap3A_9] {strides = array<i32>} : memref<2x16xf32, #tpu.memory_space<vmem>>, vector<16xf32>,
    tpu.vector_store %arg7[%swap3A_8, %swap3A_9], %broadcast_in_dim3A_3 {strides = array<i32>} : memref<2x16xf32, #tpu.memory_space<vmem>>, vector<16xf32>,
    %swap3A_11 = arith.constant 1 : i32
    %swap3A_12 = arith.index_cast %swap3A_11 : i32 to index
    %swap3A_13 = arith.constant 0 : index
    %swap3A_14 = tpu.vector_load %arg7[%swap3A_12, %swap3A_13] {strides = array<i32>} : memref<2x16xf32, #tpu.memory_space<vmem>>, vector<16xf32>,
    tpu.vector_store %arg7[%swap3A_12, %swap3A_13], %broadcast_in_dim3A_3 {strides = array<i32>} : memref<2x16xf32, #tpu.memory_space<vmem>>, vector<16xf32>,
    %scan3A = arith.constant 0 : i32
    %scan3A_15 = arith.constant 0 : i32
    %scan3A_16 = arith.constant 8 : i32
    %scan3A_17 = arith.addi %scan3A_15, %scan3A_16 : i32
    %scan3A_18 = arith.constant 1 : i32
    %scan3A_19 = scf.for %scan3A_23 = %scan3A_15 to %scan3A_17 step %scan3A_18 iter_args(%scan3A_24 = %scan3A) -> (i32)  : i32 {
      %mul3A_25 = arith.constant 16 : i32
      %mul3A_26 = arith.muli %scan3A_23, %mul3A_25 : i32
      %add3A_27 = vector.broadcast %mul3A_26 : i32 to vector<16xi32>
      %add3A_28 = arith.addi %add3A_27, %iota3A : vector<16xi32>
      %broadcast_in_dim3A_29 = arith.constant 0 : i32
      %broadcast_in_dim3A_30 = vector.broadcast %broadcast_in_dim3A_29 : i32 to vector<16xi32>
      %gather3A = tpu.vector_load_idx %arg5[%add3A_28, %broadcast_in_dim3A_30] : memref<128x16xf32, #tpu.memory_space<vmem>>[vector<16xi32>, vector<16xi32>], vector<16xf32>,
      %broadcast_in_dim3A_31 = arith.constant 0 : i32
      %broadcast_in_dim3A_32 = vector.broadcast %broadcast_in_dim3A_31 : i32 to vector<16xi32>
      %broadcast_in_dim3A_33 = arith.constant 0 : i32
      %broadcast_in_dim3A_34 = vector.broadcast %broadcast_in_dim3A_33 : i32 to vector<16xi32>
      %broadcast_in_dim3A_35 = arith.constant 1 : i32
      %broadcast_in_dim3A_36 = vector.broadcast %broadcast_in_dim3A_35 : i32 to vector<16xi32>
      %gather3A_37 = tpu.vector_load_idx %arg5[%add3A_28, %broadcast_in_dim3A_36] : memref<128x16xf32, #tpu.memory_space<vmem>>[vector<16xi32>, vector<16xi32>], vector<16xf32>,
      %gt3A = arith.cmpf ogt, %gather3A_37, %gather3A : vector<16xf32>
      %not3A = arith.constant dense<true> : vector<16xi1>
      %not3A_38 = arith.xori %gt3A, %not3A : vector<16xi1>
      %gt3A_39 = arith.cmpf ogt, %gather3A_37, %broadcast_in_dim3A_7 : vector<16xf32>
      %and3A = arith.andi %not3A_38, %gt3A_39 : vector<16xi1>
      %select_n3A = arith.select %and3A, %gather3A_37, %broadcast_in_dim3A_7 : vector<16xi1>, vector<16xf32>
      %select_n3A_40 = arith.select %gt3A, %gather3A, %select_n3A : vector<16xi1>, vector<16xf32>
      %select_n3A_41 = arith.select %and3A, %broadcast_in_dim3A_36, %broadcast_in_dim3A_34 : vector<16xi1>, vector<16xi32>
      %select_n3A_42 = arith.select %gt3A, %broadcast_in_dim3A_32, %select_n3A_41 : vector<16xi1>, vector<16xi32>
      %select_n3A_43 = arith.select %gt3A, %gather3A_37, %gather3A : vector<16xi1>, vector<16xf32>
      %select_n3A_44 = arith.select %gt3A, %broadcast_in_dim3A_36, %broadcast_in_dim3A_32 : vector<16xi1>, vector<16xi32>
      %broadcast_in_dim3A_45 = arith.constant 2 : i32
      %broadcast_in_dim3A_46 = vector.broadcast %broadcast_in_dim3A_45 : i32 to vector<16xi32>
      %gather3A_47 = tpu.vector_load_idx %arg5[%add3A_28, %broadcast_in_dim3A_46] : memref<128x16xf32, #tpu.memory_space<vmem>>[vector<16xi32>, vector<16xi32>], vector<16xf32>,
      %gt3A_48 = arith.cmpf ogt, %gather3A_47, %select_n3A_43 : vector<16xf32>
      %not3A_49 = arith.constant dense<true> : vector<16xi1>
      %not3A_50 = arith.xori %gt3A_48, %not3A_49 : vector<16xi1>
      %gt3A_51 = arith.cmpf ogt, %gather3A_47, %select_n3A_40 : vector<16xf32>
      %and3A_52 = arith.andi %not3A_50, %gt3A_51 : vector<16xi1>
      %select_n3A_53 = arith.select %and3A_52, %gather3A_47, %select_n3A_40 : vector<16xi1>, vector<16xf32>
      %select_n3A_54 = arith.select %gt3A_48, %select_n3A_43, %select_n3A_53 : vector<16xi1>, vector<16xf32>
      %select_n3A_55 = arith.select %and3A_52, %broadcast_in_dim3A_46, %select_n3A_42 : vector<16xi1>, vector<16xi32>
      %select_n3A_56 = arith.select %gt3A_48, %select_n3A_44, %select_n3A_55 : vector<16xi1>, vector<16xi32>
      %select_n3A_57 = arith.select %gt3A_48, %gather3A_47, %select_n3A_43 : vector<16xi1>, vector<16xf32>
      %select_n3A_58 = arith.select %gt3A_48, %broadcast_in_dim3A_46, %select_n3A_44 : vector<16xi1>, vector<16xi32>
      %broadcast_in_dim3A_59 = arith.constant 3 : i32
      %broadcast_in_dim3A_60 = vector.broadcast %broadcast_in_dim3A_59 : i32 to vector<16xi32>
      %gather3A_61 = tpu.vector_load_idx %arg5[%add3A_28, %broadcast_in_dim3A_60] : memref<128x16xf32, #tpu.memory_space<vmem>>[vector<16xi32>, vector<16xi32>], vector<16xf32>,
      %gt3A_62 = arith.cmpf ogt, %gather3A_61, %select_n3A_57 : vector<16xf32>
      %not3A_63 = arith.constant dense<true> : vector<16xi1>
      %not3A_64 = arith.xori %gt3A_62, %not3A_63 : vector<16xi1>
      %gt3A_65 = arith.cmpf ogt, %gather3A_61, %select_n3A_54 : vector<16xf32>
      %and3A_66 = arith.andi %not3A_64, %gt3A_65 : vector<16xi1>
      %select_n3A_67 = arith.select %and3A_66, %gather3A_61, %select_n3A_54 : vector<16xi1>, vector<16xf32>
      %select_n3A_68 = arith.select %gt3A_62, %select_n3A_57, %select_n3A_67 : vector<16xi1>, vector<16xf32>
      %select_n3A_69 = arith.select %and3A_66, %broadcast_in_dim3A_60, %select_n3A_56 : vector<16xi1>, vector<16xi32>
      %select_n3A_70 = arith.select %gt3A_62, %select_n3A_58, %select_n3A_69 : vector<16xi1>, vector<16xi32>
      %select_n3A_71 = arith.select %gt3A_62, %gather3A_61, %select_n3A_57 : vector<16xi1>, vector<16xf32>
      %select_n3A_72 = arith.select %gt3A_62, %broadcast_in_dim3A_60, %select_n3A_58 : vector<16xi1>, vector<16xi32>
      %broadcast_in_dim3A_73 = arith.constant 4 : i32
      %broadcast_in_dim3A_74 = vector.broadcast %broadcast_in_dim3A_73 : i32 to vector<16xi32>
      %gather3A_75 = tpu.vector_load_idx %arg5[%add3A_28, %broadcast_in_dim3A_74] : memref<128x16xf32, #tpu.memory_space<vmem>>[vector<16xi32>, vector<16xi32>], vector<16xf32>,
      %gt3A_76 = arith.cmpf ogt, %gather3A_75, %select_n3A_71 : vector<16xf32>
      %not3A_77 = arith.constant dense<true> : vector<16xi1>
      %not3A_78 = arith.xori %gt3A_76, %not3A_77 : vector<16xi1>
      %gt3A_79 = arith.cmpf ogt, %gather3A_75, %select_n3A_68 : vector<16xf32>
      %and3A_80 = arith.andi %not3A_78, %gt3A_79 : vector<16xi1>
      %select_n3A_81 = arith.select %and3A_80, %gather3A_75, %select_n3A_68 : vector<16xi1>, vector<16xf32>
      %select_n3A_82 = arith.select %gt3A_76, %select_n3A_71, %select_n3A_81 : vector<16xi1>, vector<16xf32>
      %select_n3A_83 = arith.select %and3A_80, %broadcast_in_dim3A_74, %select_n3A_70 : vector<16xi1>, vector<16xi32>
      %select_n3A_84 = arith.select %gt3A_76, %select_n3A_72, %select_n3A_83 : vector<16xi1>, vector<16xi32>
      %select_n3A_85 = arith.select %gt3A_76, %gather3A_75, %select_n3A_71 : vector<16xi1>, vector<16xf32>
      %select_n3A_86 = arith.select %gt3A_76, %broadcast_in_dim3A_74, %select_n3A_72 : vector<16xi1>, vector<16xi32>
      %broadcast_in_dim3A_87 = arith.constant 5 : i32
      %broadcast_in_dim3A_88 = vector.broadcast %broadcast_in_dim3A_87 : i32 to vector<16xi32>
      %gather3A_89 = tpu.vector_load_idx %arg5[%add3A_28, %broadcast_in_dim3A_88] : memref<128x16xf32, #tpu.memory_space<vmem>>[vector<16xi32>, vector<16xi32>], vector<16xf32>,
      %gt3A_90 = arith.cmpf ogt, %gather3A_89, %select_n3A_85 : vector<16xf32>
      %not3A_91 = arith.constant dense<true> : vector<16xi1>
      %not3A_92 = arith.xori %gt3A_90, %not3A_91 : vector<16xi1>
      %gt3A_93 = arith.cmpf ogt, %gather3A_89, %select_n3A_82 : vector<16xf32>
      %and3A_94 = arith.andi %not3A_92, %gt3A_93 : vector<16xi1>
      %select_n3A_95 = arith.select %and3A_94, %gather3A_89, %select_n3A_82 : vector<16xi1>, vector<16xf32>
      %select_n3A_96 = arith.select %gt3A_90, %select_n3A_85, %select_n3A_95 : vector<16xi1>, vector<16xf32>
      %select_n3A_97 = arith.select %and3A_94, %broadcast_in_dim3A_88, %select_n3A_84 : vector<16xi1>, vector<16xi32>
      %select_n3A_98 = arith.select %gt3A_90, %select_n3A_86, %select_n3A_97 : vector<16xi1>, vector<16xi32>
      %select_n3A_99 = arith.select %gt3A_90, %gather3A_89, %select_n3A_85 : vector<16xi1>, vector<16xf32>
      %select_n3A_100 = arith.select %gt3A_90, %broadcast_in_dim3A_88, %select_n3A_86 : vector<16xi1>, vector<16xi32>
      %broadcast_in_dim3A_101 = arith.constant 6 : i32
      %broadcast_in_dim3A_102 = vector.broadcast %broadcast_in_dim3A_101 : i32 to vector<16xi32>
      %gather3A_103 = tpu.vector_load_idx %arg5[%add3A_28, %broadcast_in_dim3A_102] : memref<128x16xf32, #tpu.memory_space<vmem>>[vector<16xi32>, vector<16xi32>], vector<16xf32>,
      %gt3A_104 = arith.cmpf ogt, %gather3A_103, %select_n3A_99 : vector<16xf32>
      %not3A_105 = arith.constant dense<true> : vector<16xi1>
      %not3A_106 = arith.xori %gt3A_104, %not3A_105 : vector<16xi1>
      %gt3A_107 = arith.cmpf ogt, %gather3A_103, %select_n3A_96 : vector<16xf32>
      %and3A_108 = arith.andi %not3A_106, %gt3A_107 : vector<16xi1>
      %select_n3A_109 = arith.select %and3A_108, %gather3A_103, %select_n3A_96 : vector<16xi1>, vector<16xf32>
      %select_n3A_110 = arith.select %gt3A_104, %select_n3A_99, %select_n3A_109 : vector<16xi1>, vector<16xf32>
      %select_n3A_111 = arith.select %and3A_108, %broadcast_in_dim3A_102, %select_n3A_98 : vector<16xi1>, vector<16xi32>
      %select_n3A_112 = arith.select %gt3A_104, %select_n3A_100, %select_n3A_111 : vector<16xi1>, vector<16xi32>
      %select_n3A_113 = arith.select %gt3A_104, %gather3A_103, %select_n3A_99 : vector<16xi1>, vector<16xf32>
      %select_n3A_114 = arith.select %gt3A_104, %broadcast_in_dim3A_102, %select_n3A_100 : vector<16xi1>, vector<16xi32>
      %broadcast_in_dim3A_115 = arith.constant 7 : i32
      %broadcast_in_dim3A_116 = vector.broadcast %broadcast_in_dim3A_115 : i32 to vector<16xi32>
      %gather3A_117 = tpu.vector_load_idx %arg5[%add3A_28, %broadcast_in_dim3A_116] : memref<128x16xf32, #tpu.memory_space<vmem>>[vector<16xi32>, vector<16xi32>], vector<16xf32>,
      %gt3A_118 = arith.cmpf ogt, %gather3A_117, %select_n3A_113 : vector<16xf32>
      %not3A_119 = arith.constant dense<true> : vector<16xi1>
      %not3A_120 = arith.xori %gt3A_118, %not3A_119 : vector<16xi1>
      %gt3A_121 = arith.cmpf ogt, %gather3A_117, %select_n3A_110 : vector<16xf32>
      %and3A_122 = arith.andi %not3A_120, %gt3A_121 : vector<16xi1>
      %select_n3A_123 = arith.select %and3A_122, %gather3A_117, %select_n3A_110 : vector<16xi1>, vector<16xf32>
      %select_n3A_124 = arith.select %gt3A_118, %select_n3A_113, %select_n3A_123 : vector<16xi1>, vector<16xf32>
      %select_n3A_125 = arith.select %and3A_122, %broadcast_in_dim3A_116, %select_n3A_112 : vector<16xi1>, vector<16xi32>
      %select_n3A_126 = arith.select %gt3A_118, %select_n3A_114, %select_n3A_125 : vector<16xi1>, vector<16xi32>
      %select_n3A_127 = arith.select %gt3A_118, %gather3A_117, %select_n3A_113 : vector<16xi1>, vector<16xf32>
      %select_n3A_128 = arith.select %gt3A_118, %broadcast_in_dim3A_116, %select_n3A_114 : vector<16xi1>, vector<16xi32>
      %broadcast_in_dim3A_129 = arith.constant 8 : i32
      %broadcast_in_dim3A_130 = vector.broadcast %broadcast_in_dim3A_129 : i32 to vector<16xi32>
      %gather3A_131 = tpu.vector_load_idx %arg5[%add3A_28, %broadcast_in_dim3A_130] : memref<128x16xf32, #tpu.memory_space<vmem>>[vector<16xi32>, vector<16xi32>], vector<16xf32>,
      %gt3A_132 = arith.cmpf ogt, %gather3A_131, %select_n3A_127 : vector<16xf32>
      %not3A_133 = arith.constant dense<true> : vector<16xi1>
      %not3A_134 = arith.xori %gt3A_132, %not3A_133 : vector<16xi1>
      %gt3A_135 = arith.cmpf ogt, %gather3A_131, %select_n3A_124 : vector<16xf32>
      %and3A_136 = arith.andi %not3A_134, %gt3A_135 : vector<16xi1>
      %select_n3A_137 = arith.select %and3A_136, %gather3A_131, %select_n3A_124 : vector<16xi1>, vector<16xf32>
      %select_n3A_138 = arith.select %gt3A_132, %select_n3A_127, %select_n3A_137 : vector<16xi1>, vector<16xf32>
      %select_n3A_139 = arith.select %and3A_136, %broadcast_in_dim3A_130, %select_n3A_126 : vector<16xi1>, vector<16xi32>
      %select_n3A_140 = arith.select %gt3A_132, %select_n3A_128, %select_n3A_139 : vector<16xi1>, vector<16xi32>
      %select_n3A_141 = arith.select %gt3A_132, %gather3A_131, %select_n3A_127 : vector<16xi1>, vector<16xf32>
      %select_n3A_142 = arith.select %gt3A_132, %broadcast_in_dim3A_130, %select_n3A_128 : vector<16xi1>, vector<16xi32>
      %broadcast_in_dim3A_143 = arith.constant 9 : i32
      %broadcast_in_dim3A_144 = vector.broadcast %broadcast_in_dim3A_143 : i32 to vector<16xi32>
      %gather3A_145 = tpu.vector_load_idx %arg5[%add3A_28, %broadcast_in_dim3A_144] : memref<128x16xf32, #tpu.memory_space<vmem>>[vector<16xi32>, vector<16xi32>], vector<16xf32>,
      %gt3A_146 = arith.cmpf ogt, %gather3A_145, %select_n3A_141 : vector<16xf32>
      %not3A_147 = arith.constant dense<true> : vector<16xi1>
      %not3A_148 = arith.xori %gt3A_146, %not3A_147 : vector<16xi1>
      %gt3A_149 = arith.cmpf ogt, %gather3A_145, %select_n3A_138 : vector<16xf32>
      %and3A_150 = arith.andi %not3A_148, %gt3A_149 : vector<16xi1>
      %select_n3A_151 = arith.select %and3A_150, %gather3A_145, %select_n3A_138 : vector<16xi1>, vector<16xf32>
      %select_n3A_152 = arith.select %gt3A_146, %select_n3A_141, %select_n3A_151 : vector<16xi1>, vector<16xf32>
      %select_n3A_153 = arith.select %and3A_150, %broadcast_in_dim3A_144, %select_n3A_140 : vector<16xi1>, vector<16xi32>
      %select_n3A_154 = arith.select %gt3A_146, %select_n3A_142, %select_n3A_153 : vector<16xi1>, vector<16xi32>
      %select_n3A_155 = arith.select %gt3A_146, %gather3A_145, %select_n3A_141 : vector<16xi1>, vector<16xf32>
      %select_n3A_156 = arith.select %gt3A_146, %broadcast_in_dim3A_144, %select_n3A_142 : vector<16xi1>, vector<16xi32>
      %broadcast_in_dim3A_157 = arith.constant 10 : i32
      %broadcast_in_dim3A_158 = vector.broadcast %broadcast_in_dim3A_157 : i32 to vector<16xi32>
      %gather3A_159 = tpu.vector_load_idx %arg5[%add3A_28, %broadcast_in_dim3A_158] : memref<128x16xf32, #tpu.memory_space<vmem>>[vector<16xi32>, vector<16xi32>], vector<16xf32>,
      %gt3A_160 = arith.cmpf ogt, %gather3A_159, %select_n3A_155 : vector<16xf32>
      %not3A_161 = arith.constant dense<true> : vector<16xi1>
      %not3A_162 = arith.xori %gt3A_160, %not3A_161 : vector<16xi1>
      %gt3A_163 = arith.cmpf ogt, %gather3A_159, %select_n3A_152 : vector<16xf32>
      %and3A_164 = arith.andi %not3A_162, %gt3A_163 : vector<16xi1>
      %select_n3A_165 = arith.select %and3A_164, %gather3A_159, %select_n3A_152 : vector<16xi1>, vector<16xf32>
      %select_n3A_166 = arith.select %gt3A_160, %select_n3A_155, %select_n3A_165 : vector<16xi1>, vector<16xf32>
      %select_n3A_167 = arith.select %and3A_164, %broadcast_in_dim3A_158, %select_n3A_154 : vector<16xi1>, vector<16xi32>
      %select_n3A_168 = arith.select %gt3A_160, %select_n3A_156, %select_n3A_167 : vector<16xi1>, vector<16xi32>
      %select_n3A_169 = arith.select %gt3A_160, %gather3A_159, %select_n3A_155 : vector<16xi1>, vector<16xf32>
      %select_n3A_170 = arith.select %gt3A_160, %broadcast_in_dim3A_158, %select_n3A_156 : vector<16xi1>, vector<16xi32>
      %broadcast_in_dim3A_171 = arith.constant 11 : i32
      %broadcast_in_dim3A_172 = vector.broadcast %broadcast_in_dim3A_171 : i32 to vector<16xi32>
      %gather3A_173 = tpu.vector_load_idx %arg5[%add3A_28, %broadcast_in_dim3A_172] : memref<128x16xf32, #tpu.memory_space<vmem>>[vector<16xi32>, vector<16xi32>], vector<16xf32>,
      %gt3A_174 = arith.cmpf ogt, %gather3A_173, %select_n3A_169 : vector<16xf32>
      %not3A_175 = arith.constant dense<true> : vector<16xi1>
      %not3A_176 = arith.xori %gt3A_174, %not3A_175 : vector<16xi1>
      %gt3A_177 = arith.cmpf ogt, %gather3A_173, %select_n3A_166 : vector<16xf32>
      %and3A_178 = arith.andi %not3A_176, %gt3A_177 : vector<16xi1>
      %select_n3A_179 = arith.select %and3A_178, %gather3A_173, %select_n3A_166 : vector<16xi1>, vector<16xf32>
      %select_n3A_180 = arith.select %gt3A_174, %select_n3A_169, %select_n3A_179 : vector<16xi1>, vector<16xf32>
      %select_n3A_181 = arith.select %and3A_178, %broadcast_in_dim3A_172, %select_n3A_168 : vector<16xi1>, vector<16xi32>
      %select_n3A_182 = arith.select %gt3A_174, %select_n3A_170, %select_n3A_181 : vector<16xi1>, vector<16xi32>
      %select_n3A_183 = arith.select %gt3A_174, %gather3A_173, %select_n3A_169 : vector<16xi1>, vector<16xf32>
      %select_n3A_184 = arith.select %gt3A_174, %broadcast_in_dim3A_172, %select_n3A_170 : vector<16xi1>, vector<16xi32>
      %broadcast_in_dim3A_185 = arith.constant 12 : i32
      %broadcast_in_dim3A_186 = vector.broadcast %broadcast_in_dim3A_185 : i32 to vector<16xi32>
      %gather3A_187 = tpu.vector_load_idx %arg5[%add3A_28, %broadcast_in_dim3A_186] : memref<128x16xf32, #tpu.memory_space<vmem>>[vector<16xi32>, vector<16xi32>], vector<16xf32>,
      %gt3A_188 = arith.cmpf ogt, %gather3A_187, %select_n3A_183 : vector<16xf32>
      %not3A_189 = arith.constant dense<true> : vector<16xi1>
      %not3A_190 = arith.xori %gt3A_188, %not3A_189 : vector<16xi1>
      %gt3A_191 = arith.cmpf ogt, %gather3A_187, %select_n3A_180 : vector<16xf32>
      %and3A_192 = arith.andi %not3A_190, %gt3A_191 : vector<16xi1>
      %select_n3A_193 = arith.select %and3A_192, %gather3A_187, %select_n3A_180 : vector<16xi1>, vector<16xf32>
      %select_n3A_194 = arith.select %gt3A_188, %select_n3A_183, %select_n3A_193 : vector<16xi1>, vector<16xf32>
      %select_n3A_195 = arith.select %and3A_192, %broadcast_in_dim3A_186, %select_n3A_182 : vector<16xi1>, vector<16xi32>
      %select_n3A_196 = arith.select %gt3A_188, %select_n3A_184, %select_n3A_195 : vector<16xi1>, vector<16xi32>
      %select_n3A_197 = arith.select %gt3A_188, %gather3A_187, %select_n3A_183 : vector<16xi1>, vector<16xf32>
      %select_n3A_198 = arith.select %gt3A_188, %broadcast_in_dim3A_186, %select_n3A_184 : vector<16xi1>, vector<16xi32>
      %broadcast_in_dim3A_199 = arith.constant 13 : i32
      %broadcast_in_dim3A_200 = vector.broadcast %broadcast_in_dim3A_199 : i32 to vector<16xi32>
      %gather3A_201 = tpu.vector_load_idx %arg5[%add3A_28, %broadcast_in_dim3A_200] : memref<128x16xf32, #tpu.memory_space<vmem>>[vector<16xi32>, vector<16xi32>], vector<16xf32>,
      %gt3A_202 = arith.cmpf ogt, %gather3A_201, %select_n3A_197 : vector<16xf32>
      %not3A_203 = arith.constant dense<true> : vector<16xi1>
      %not3A_204 = arith.xori %gt3A_202, %not3A_203 : vector<16xi1>
      %gt3A_205 = arith.cmpf ogt, %gather3A_201, %select_n3A_194 : vector<16xf32>
      %and3A_206 = arith.andi %not3A_204, %gt3A_205 : vector<16xi1>
      %select_n3A_207 = arith.select %and3A_206, %gather3A_201, %select_n3A_194 : vector<16xi1>, vector<16xf32>
      %select_n3A_208 = arith.select %gt3A_202, %select_n3A_197, %select_n3A_207 : vector<16xi1>, vector<16xf32>
      %select_n3A_209 = arith.select %and3A_206, %broadcast_in_dim3A_200, %select_n3A_196 : vector<16xi1>, vector<16xi32>
      %select_n3A_210 = arith.select %gt3A_202, %select_n3A_198, %select_n3A_209 : vector<16xi1>, vector<16xi32>
      %select_n3A_211 = arith.select %gt3A_202, %gather3A_201, %select_n3A_197 : vector<16xi1>, vector<16xf32>
      %select_n3A_212 = arith.select %gt3A_202, %broadcast_in_dim3A_200, %select_n3A_198 : vector<16xi1>, vector<16xi32>
      %broadcast_in_dim3A_213 = arith.constant 14 : i32
      %broadcast_in_dim3A_214 = vector.broadcast %broadcast_in_dim3A_213 : i32 to vector<16xi32>
      %gather3A_215 = tpu.vector_load_idx %arg5[%add3A_28, %broadcast_in_dim3A_214] : memref<128x16xf32, #tpu.memory_space<vmem>>[vector<16xi32>, vector<16xi32>], vector<16xf32>,
      %gt3A_216 = arith.cmpf ogt, %gather3A_215, %select_n3A_211 : vector<16xf32>
      %not3A_217 = arith.constant dense<true> : vector<16xi1>
      %not3A_218 = arith.xori %gt3A_216, %not3A_217 : vector<16xi1>
      %gt3A_219 = arith.cmpf ogt, %gather3A_215, %select_n3A_208 : vector<16xf32>
      %and3A_220 = arith.andi %not3A_218, %gt3A_219 : vector<16xi1>
      %select_n3A_221 = arith.select %and3A_220, %gather3A_215, %select_n3A_208 : vector<16xi1>, vector<16xf32>
      %select_n3A_222 = arith.select %gt3A_216, %select_n3A_211, %select_n3A_221 : vector<16xi1>, vector<16xf32>
      %select_n3A_223 = arith.select %and3A_220, %broadcast_in_dim3A_214, %select_n3A_210 : vector<16xi1>, vector<16xi32>
      %select_n3A_224 = arith.select %gt3A_216, %select_n3A_212, %select_n3A_223 : vector<16xi1>, vector<16xi32>
      %select_n3A_225 = arith.select %gt3A_216, %gather3A_215, %select_n3A_211 : vector<16xi1>, vector<16xf32>
      %select_n3A_226 = arith.select %gt3A_216, %broadcast_in_dim3A_214, %select_n3A_212 : vector<16xi1>, vector<16xi32>
      %broadcast_in_dim3A_227 = arith.constant 15 : i32
      %broadcast_in_dim3A_228 = vector.broadcast %broadcast_in_dim3A_227 : i32 to vector<16xi32>
      %gather3A_229 = tpu.vector_load_idx %arg5[%add3A_28, %broadcast_in_dim3A_228] : memref<128x16xf32, #tpu.memory_space<vmem>>[vector<16xi32>, vector<16xi32>], vector<16xf32>,
      %gt3A_230 = arith.cmpf ogt, %gather3A_229, %select_n3A_225 : vector<16xf32>
      %not3A_231 = arith.constant dense<true> : vector<16xi1>
      %not3A_232 = arith.xori %gt3A_230, %not3A_231 : vector<16xi1>
      %gt3A_233 = arith.cmpf ogt, %gather3A_229, %select_n3A_222 : vector<16xf32>
      %and3A_234 = arith.andi %not3A_232, %gt3A_233 : vector<16xi1>
      %select_n3A_235 = arith.select %and3A_234, %gather3A_229, %select_n3A_222 : vector<16xi1>, vector<16xf32>
      %select_n3A_236 = arith.select %gt3A_230, %select_n3A_225, %select_n3A_235 : vector<16xi1>, vector<16xf32>
      %select_n3A_237 = arith.select %and3A_234, %broadcast_in_dim3A_228, %select_n3A_224 : vector<16xi1>, vector<16xi32>
      %select_n3A_238 = arith.select %gt3A_230, %select_n3A_226, %select_n3A_237 : vector<16xi1>, vector<16xi32>
      %select_n3A_239 = arith.select %gt3A_230, %gather3A_229, %select_n3A_225 : vector<16xi1>, vector<16xf32>
      %select_n3A_240 = arith.select %gt3A_230, %broadcast_in_dim3A_228, %select_n3A_226 : vector<16xi1>, vector<16xi32>
      %sub3A = arith.subf %select_n3A_236, %select_n3A_239 : vector<16xf32>
      %exp3A = math.exp %sub3A : vector<16xf32>
      %add3A_241 = arith.addf %broadcast_in_dim3A_5, %exp3A : vector<16xf32>
      %div3A = arith.divf %broadcast_in_dim3A_5, %add3A_241 : vector<16xf32>
      %div3A_242 = arith.divf %exp3A, %add3A_241 : vector<16xf32>
      %mul3A_243 = arith.constant 16 : i32
      %mul3A_244 = arith.muli %scan3A_23, %mul3A_243 : i32
      %add3A_245 = arith.constant 0 : i32
      %add3A_246 = arith.addi %mul3A_244, %add3A_245 : i32
      %swap3A_247 = arith.index_cast %add3A_246 : i32 to index
      %swap3A_248 = arith.constant 0 : index
      %swap3A_249 = tpu.vector_load %arg6[%swap3A_247, %swap3A_248] {strides = array<i32>} : memref<128x16xf32, #tpu.memory_space<vmem>>, vector<16xf32>,
      tpu.vector_store %arg6[%swap3A_247, %swap3A_248], %broadcast_in_dim3A_3 {strides = array<i32>} : memref<128x16xf32, #tpu.memory_space<vmem>>, vector<16xf32>,
      %mul3A_250 = arith.constant 16 : i32
      %mul3A_251 = arith.muli %scan3A_23, %mul3A_250 : i32
      %add3A_252 = arith.constant 1 : i32
      %add3A_253 = arith.addi %mul3A_251, %add3A_252 : i32
      %swap3A_254 = arith.index_cast %add3A_253 : i32 to index
      %swap3A_255 = arith.constant 0 : index
      %swap3A_256 = tpu.vector_load %arg6[%swap3A_254, %swap3A_255] {strides = array<i32>} : memref<128x16xf32, #tpu.memory_space<vmem>>, vector<16xf32>,
      tpu.vector_store %arg6[%swap3A_254, %swap3A_255], %broadcast_in_dim3A_3 {strides = array<i32>} : memref<128x16xf32, #tpu.memory_space<vmem>>, vector<16xf32>,
      %mul3A_257 = arith.constant 16 : i32
      %mul3A_258 = arith.muli %scan3A_23, %mul3A_257 : i32
      %add3A_259 = arith.constant 2 : i32
      %add3A_260 = arith.addi %mul3A_258, %add3A_259 : i32
      %swap3A_261 = arith.index_cast %add3A_260 : i32 to index
      %swap3A_262 = arith.constant 0 : index
      %swap3A_263 = tpu.vector_load %arg6[%swap3A_261, %swap3A_262] {strides = array<i32>} : memref<128x16xf32, #tpu.memory_space<vmem>>, vector<16xf32>,
      tpu.vector_store %arg6[%swap3A_261, %swap3A_262], %broadcast_in_dim3A_3 {strides = array<i32>} : memref<128x16xf32, #tpu.memory_space<vmem>>, vector<16xf32>,
      %mul3A_264 = arith.constant 16 : i32
      %mul3A_265 = arith.muli %scan3A_23, %mul3A_264 : i32
      %add3A_266 = arith.constant 3 : i32
      %add3A_267 = arith.addi %mul3A_265, %add3A_266 : i32
      %swap3A_268 = arith.index_cast %add3A_267 : i32 to index
      %swap3A_269 = arith.constant 0 : index
      %swap3A_270 = tpu.vector_load %arg6[%swap3A_268, %swap3A_269] {strides = array<i32>} : memref<128x16xf32, #tpu.memory_space<vmem>>, vector<16xf32>,
      tpu.vector_store %arg6[%swap3A_268, %swap3A_269], %broadcast_in_dim3A_3 {strides = array<i32>} : memref<128x16xf32, #tpu.memory_space<vmem>>, vector<16xf32>,
      %mul3A_271 = arith.constant 16 : i32
      %mul3A_272 = arith.muli %scan3A_23, %mul3A_271 : i32
      %add3A_273 = arith.constant 4 : i32
      %add3A_274 = arith.addi %mul3A_272, %add3A_273 : i32
      %swap3A_275 = arith.index_cast %add3A_274 : i32 to index
      %swap3A_276 = arith.constant 0 : index
      %swap3A_277 = tpu.vector_load %arg6[%swap3A_275, %swap3A_276] {strides = array<i32>} : memref<128x16xf32, #tpu.memory_space<vmem>>, vector<16xf32>,
      tpu.vector_store %arg6[%swap3A_275, %swap3A_276], %broadcast_in_dim3A_3 {strides = array<i32>} : memref<128x16xf32, #tpu.memory_space<vmem>>, vector<16xf32>,
      %mul3A_278 = arith.constant 16 : i32
      %mul3A_279 = arith.muli %scan3A_23, %mul3A_278 : i32
      %add3A_280 = arith.constant 5 : i32
      %add3A_281 = arith.addi %mul3A_279, %add3A_280 : i32
      %swap3A_282 = arith.index_cast %add3A_281 : i32 to index
      %swap3A_283 = arith.constant 0 : index
      %swap3A_284 = tpu.vector_load %arg6[%swap3A_282, %swap3A_283] {strides = array<i32>} : memref<128x16xf32, #tpu.memory_space<vmem>>, vector<16xf32>,
      tpu.vector_store %arg6[%swap3A_282, %swap3A_283], %broadcast_in_dim3A_3 {strides = array<i32>} : memref<128x16xf32, #tpu.memory_space<vmem>>, vector<16xf32>,
      %mul3A_285 = arith.constant 16 : i32
      %mul3A_286 = arith.muli %scan3A_23, %mul3A_285 : i32
      %add3A_287 = arith.constant 6 : i32
      %add3A_288 = arith.addi %mul3A_286, %add3A_287 : i32
      %swap3A_289 = arith.index_cast %add3A_288 : i32 to index
      %swap3A_290 = arith.constant 0 : index
      %swap3A_291 = tpu.vector_load %arg6[%swap3A_289, %swap3A_290] {strides = array<i32>} : memref<128x16xf32, #tpu.memory_space<vmem>>, vector<16xf32>,
      tpu.vector_store %arg6[%swap3A_289, %swap3A_290], %broadcast_in_dim3A_3 {strides = array<i32>} : memref<128x16xf32, #tpu.memory_space<vmem>>, vector<16xf32>,
      %mul3A_292 = arith.constant 16 : i32
      %mul3A_293 = arith.muli %scan3A_23, %mul3A_292 : i32
      %add3A_294 = arith.constant 7 : i32
      %add3A_295 = arith.addi %mul3A_293, %add3A_294 : i32
      %swap3A_296 = arith.index_cast %add3A_295 : i32 to index
      %swap3A_297 = arith.constant 0 : index
      %swap3A_298 = tpu.vector_load %arg6[%swap3A_296, %swap3A_297] {strides = array<i32>} : memref<128x16xf32, #tpu.memory_space<vmem>>, vector<16xf32>,
      tpu.vector_store %arg6[%swap3A_296, %swap3A_297], %broadcast_in_dim3A_3 {strides = array<i32>} : memref<128x16xf32, #tpu.memory_space<vmem>>, vector<16xf32>,
      %mul3A_299 = arith.constant 16 : i32
      %mul3A_300 = arith.muli %scan3A_23, %mul3A_299 : i32
      %add3A_301 = arith.constant 8 : i32
      %add3A_302 = arith.addi %mul3A_300, %add3A_301 : i32
      %swap3A_303 = arith.index_cast %add3A_302 : i32 to index
      %swap3A_304 = arith.constant 0 : index
      %swap3A_305 = tpu.vector_load %arg6[%swap3A_303, %swap3A_304] {strides = array<i32>} : memref<128x16xf32, #tpu.memory_space<vmem>>, vector<16xf32>,
      tpu.vector_store %arg6[%swap3A_303, %swap3A_304], %broadcast_in_dim3A_3 {strides = array<i32>} : memref<128x16xf32, #tpu.memory_space<vmem>>, vector<16xf32>,
      %mul3A_306 = arith.constant 16 : i32
      %mul3A_307 = arith.muli %scan3A_23, %mul3A_306 : i32
      %add3A_308 = arith.constant 9 : i32
      %add3A_309 = arith.addi %mul3A_307, %add3A_308 : i32
      %swap3A_310 = arith.index_cast %add3A_309 : i32 to index
      %swap3A_311 = arith.constant 0 : index
      %swap3A_312 = tpu.vector_load %arg6[%swap3A_310, %swap3A_311] {strides = array<i32>} : memref<128x16xf32, #tpu.memory_space<vmem>>, vector<16xf32>,
      tpu.vector_store %arg6[%swap3A_310, %swap3A_311], %broadcast_in_dim3A_3 {strides = array<i32>} : memref<128x16xf32, #tpu.memory_space<vmem>>, vector<16xf32>,
      %mul3A_313 = arith.constant 16 : i32
      %mul3A_314 = arith.muli %scan3A_23, %mul3A_313 : i32
      %add3A_315 = arith.constant 10 : i32
      %add3A_316 = arith.addi %mul3A_314, %add3A_315 : i32
      %swap3A_317 = arith.index_cast %add3A_316 : i32 to index
      %swap3A_318 = arith.constant 0 : index
      %swap3A_319 = tpu.vector_load %arg6[%swap3A_317, %swap3A_318] {strides = array<i32>} : memref<128x16xf32, #tpu.memory_space<vmem>>, vector<16xf32>,
      tpu.vector_store %arg6[%swap3A_317, %swap3A_318], %broadcast_in_dim3A_3 {strides = array<i32>} : memref<128x16xf32, #tpu.memory_space<vmem>>, vector<16xf32>,
      %mul3A_320 = arith.constant 16 : i32
      %mul3A_321 = arith.muli %scan3A_23, %mul3A_320 : i32
      %add3A_322 = arith.constant 11 : i32
      %add3A_323 = arith.addi %mul3A_321, %add3A_322 : i32
      %swap3A_324 = arith.index_cast %add3A_323 : i32 to index
      %swap3A_325 = arith.constant 0 : index
      %swap3A_326 = tpu.vector_load %arg6[%swap3A_324, %swap3A_325] {strides = array<i32>} : memref<128x16xf32, #tpu.memory_space<vmem>>, vector<16xf32>,
      tpu.vector_store %arg6[%swap3A_324, %swap3A_325], %broadcast_in_dim3A_3 {strides = array<i32>} : memref<128x16xf32, #tpu.memory_space<vmem>>, vector<16xf32>,
      %mul3A_327 = arith.constant 16 : i32
      %mul3A_328 = arith.muli %scan3A_23, %mul3A_327 : i32
      %add3A_329 = arith.constant 12 : i32
      %add3A_330 = arith.addi %mul3A_328, %add3A_329 : i32
      %swap3A_331 = arith.index_cast %add3A_330 : i32 to index
      %swap3A_332 = arith.constant 0 : index
      %swap3A_333 = tpu.vector_load %arg6[%swap3A_331, %swap3A_332] {strides = array<i32>} : memref<128x16xf32, #tpu.memory_space<vmem>>, vector<16xf32>,
      tpu.vector_store %arg6[%swap3A_331, %swap3A_332], %broadcast_in_dim3A_3 {strides = array<i32>} : memref<128x16xf32, #tpu.memory_space<vmem>>, vector<16xf32>,
      %mul3A_334 = arith.constant 16 : i32
      %mul3A_335 = arith.muli %scan3A_23, %mul3A_334 : i32
      %add3A_336 = arith.constant 13 : i32
      %add3A_337 = arith.addi %mul3A_335, %add3A_336 : i32
      %swap3A_338 = arith.index_cast %add3A_337 : i32 to index
      %swap3A_339 = arith.constant 0 : index
      %swap3A_340 = tpu.vector_load %arg6[%swap3A_338, %swap3A_339] {strides = array<i32>} : memref<128x16xf32, #tpu.memory_space<vmem>>, vector<16xf32>,
      tpu.vector_store %arg6[%swap3A_338, %swap3A_339], %broadcast_in_dim3A_3 {strides = array<i32>} : memref<128x16xf32, #tpu.memory_space<vmem>>, vector<16xf32>,
      %mul3A_341 = arith.constant 16 : i32
      %mul3A_342 = arith.muli %scan3A_23, %mul3A_341 : i32
      %add3A_343 = arith.constant 14 : i32
      %add3A_344 = arith.addi %mul3A_342, %add3A_343 : i32
      %swap3A_345 = arith.index_cast %add3A_344 : i32 to index
      %swap3A_346 = arith.constant 0 : index
      %swap3A_347 = tpu.vector_load %arg6[%swap3A_345, %swap3A_346] {strides = array<i32>} : memref<128x16xf32, #tpu.memory_space<vmem>>, vector<16xf32>,
      tpu.vector_store %arg6[%swap3A_345, %swap3A_346], %broadcast_in_dim3A_3 {strides = array<i32>} : memref<128x16xf32, #tpu.memory_space<vmem>>, vector<16xf32>,
      %mul3A_348 = arith.constant 16 : i32
      %mul3A_349 = arith.muli %scan3A_23, %mul3A_348 : i32
      %add3A_350 = arith.constant 15 : i32
      %add3A_351 = arith.addi %mul3A_349, %add3A_350 : i32
      %swap3A_352 = arith.index_cast %add3A_351 : i32 to index
      %swap3A_353 = arith.constant 0 : index
      %swap3A_354 = tpu.vector_load %arg6[%swap3A_352, %swap3A_353] {strides = array<i32>} : memref<128x16xf32, #tpu.memory_space<vmem>>, vector<16xf32>,
      tpu.vector_store %arg6[%swap3A_352, %swap3A_353], %broadcast_in_dim3A_3 {strides = array<i32>} : memref<128x16xf32, #tpu.memory_space<vmem>>, vector<16xf32>,
      tpu.vector_store_idx %arg6[%add3A_28, %select_n3A_240], %div3A {add = true} : memref<128x16xf32, #tpu.memory_space<vmem>>[vector<16xi32>, vector<16xi32>], vector<16xf32>,
      tpu.vector_store_idx %arg6[%add3A_28, %select_n3A_238], %div3A_242 {add = true} : memref<128x16xf32, #tpu.memory_space<vmem>>[vector<16xi32>, vector<16xi32>], vector<16xf32>,
      %broadcast_in_dim3A_355 = arith.constant 0 : i32
      %broadcast_in_dim3A_356 = vector.broadcast %broadcast_in_dim3A_355 : i32 to vector<16xi32>
      tpu.vector_store_idx %arg7[%broadcast_in_dim3A_356, %select_n3A_240], %div3A {add = true} : memref<2x16xf32, #tpu.memory_space<vmem>>[vector<16xi32>, vector<16xi32>], vector<16xf32>,
      %broadcast_in_dim3A_357 = arith.constant 0 : i32
      %broadcast_in_dim3A_358 = vector.broadcast %broadcast_in_dim3A_357 : i32 to vector<16xi32>
      tpu.vector_store_idx %arg7[%broadcast_in_dim3A_358, %select_n3A_238], %div3A_242 {add = true} : memref<2x16xf32, #tpu.memory_space<vmem>>[vector<16xi32>, vector<16xi32>], vector<16xf32>,
      %broadcast_in_dim3A_359 = arith.constant 1 : i32
      %broadcast_in_dim3A_360 = vector.broadcast %broadcast_in_dim3A_359 : i32 to vector<16xi32>
      tpu.vector_store_idx %arg7[%broadcast_in_dim3A_360, %select_n3A_240], %broadcast_in_dim3A_5 {add = true} : memref<2x16xf32, #tpu.memory_space<vmem>>[vector<16xi32>, vector<16xi32>], vector<16xf32>,
      %broadcast_in_dim3A_361 = arith.constant 1 : i32
      %broadcast_in_dim3A_362 = vector.broadcast %broadcast_in_dim3A_361 : i32 to vector<16xi32>
      %gt3A_363 = arith.constant 0.000000e+00 : f32
      %gt3A_364 = vector.broadcast %gt3A_363 : f32 to vector<16xf32>
      %gt3A_365 = arith.cmpf ogt, %div3A_242, %gt3A_364 : vector<16xf32>
      %select_n3A_366 = arith.select %gt3A_365, %broadcast_in_dim3A_5, %broadcast_in_dim3A_3 : vector<16xi1>, vector<16xf32>
      tpu.vector_store_idx %arg7[%broadcast_in_dim3A_362, %select_n3A_238], %select_n3A_366 {add = true} : memref<2x16xf32, #tpu.memory_space<vmem>>[vector<16xi32>, vector<16xi32>], vector<16xf32>,
      %scan3A_367 = arith.constant 0 : i32
      scf.yield %scan3A_367 : i32
    }
    %scan3A_20 = arith.constant 8 : i32
    "tpu.region"() ({
      %run_scoped3A = tpu.sem_alloc : memref<!tpu.dma_semaphore, #tpu.memory_space<semaphore_mem>>
      %dma_start3A = arith.constant 0 : i32
      %dma_start3A_23 = tpu.memref_slice %arg3[%mul3A_2, %dma_start3A] : memref<4096x16xf32, #tpu.memory_space<hbm>> -> memref<128x16xf32, #tpu.memory_space<hbm>>
      %dma_start3A_24 = arith.constant 0 : i32
      %dma_start3A_25 = tpu.memref_slice %arg3[%mul3A_2, %dma_start3A_24] : memref<4096x16xf32, #tpu.memory_space<hbm>> -> memref<128x16xf32, #tpu.memory_space<hbm>>
      tpu.enqueue_dma source(%arg6 : memref<128x16xf32, #tpu.memory_space<vmem>>) target(%dma_start3A_25 : memref<128x16xf32, #tpu.memory_space<hbm>>) target_semaphore(%run_scoped3A : memref<!tpu.dma_semaphore, #tpu.memory_space<semaphore_mem>>)
      %dma_wait3A = arith.constant 0 : i32
      %dma_wait3A_26 = tpu.memref_slice %arg3[%mul3A_2, %dma_wait3A] : memref<4096x16xf32, #tpu.memory_space<hbm>> -> memref<128x16xf32, #tpu.memory_space<hbm>>
      %dma_wait3A_27 = arith.constant 0 : i32
      %dma_wait3A_28 = tpu.memref_slice %arg3[%mul3A_2, %dma_wait3A_27] : memref<4096x16xf32, #tpu.memory_space<hbm>> -> memref<128x16xf32, #tpu.memory_space<hbm>>
      tpu.wait_dma2 semaphore(%run_scoped3A : memref<!tpu.dma_semaphore, #tpu.memory_space<semaphore_mem>>) src(%arg6 : memref<128x16xf32, #tpu.memory_space<vmem>>) dst(%dma_wait3A_28 : memref<128x16xf32, #tpu.memory_space<hbm>>)
      tpu.yield
    }) : () -> ()
    "tpu.region"() ({
      %run_scoped3A = tpu.sem_alloc : memref<!tpu.dma_semaphore, #tpu.memory_space<semaphore_mem>>
      %dma_start3A = arith.constant 0 : i32
      %dma_start3A_23 = arith.constant 0 : i32
      %dma_start3A_24 = tpu.memref_slice %arg7[%dma_start3A, %dma_start3A_23] : memref<2x16xf32, #tpu.memory_space<vmem>> -> memref<1x16xf32, #tpu.memory_space<vmem>>
      %dma_start3A_25 = arith.constant 0 : i32
      %dma_start3A_26 = tpu.memref_slice %arg4[%add3A, %dma_start3A_25] : memref<64x16xf32, #tpu.memory_space<hbm>> -> memref<1x16xf32, #tpu.memory_space<hbm>>
      %dma_start3A_27 = arith.constant 0 : i32
      %dma_start3A_28 = tpu.memref_slice %arg4[%add3A, %dma_start3A_27] : memref<64x16xf32, #tpu.memory_space<hbm>> -> memref<1x16xf32, #tpu.memory_space<hbm>>
      %dma_start3A_29 = arith.constant 0 : i32
      %dma_start3A_30 = arith.constant 0 : i32
      %dma_start3A_31 = tpu.memref_slice %arg7[%dma_start3A_29, %dma_start3A_30] : memref<2x16xf32, #tpu.memory_space<vmem>> -> memref<1x16xf32, #tpu.memory_space<vmem>>
      tpu.enqueue_dma source(%dma_start3A_31 : memref<1x16xf32, #tpu.memory_space<vmem>>) target(%dma_start3A_28 : memref<1x16xf32, #tpu.memory_space<hbm>>) target_semaphore(%run_scoped3A : memref<!tpu.dma_semaphore, #tpu.memory_space<semaphore_mem>>)
      %dma_wait3A = arith.constant 0 : i32
      %dma_wait3A_32 = arith.constant 0 : i32
      %dma_wait3A_33 = tpu.memref_slice %arg7[%dma_wait3A, %dma_wait3A_32] : memref<2x16xf32, #tpu.memory_space<vmem>> -> memref<1x16xf32, #tpu.memory_space<vmem>>
      %dma_wait3A_34 = arith.constant 0 : i32
      %dma_wait3A_35 = tpu.memref_slice %arg4[%add3A, %dma_wait3A_34] : memref<64x16xf32, #tpu.memory_space<hbm>> -> memref<1x16xf32, #tpu.memory_space<hbm>>
      %dma_wait3A_36 = arith.constant 0 : i32
      %dma_wait3A_37 = tpu.memref_slice %arg4[%add3A, %dma_wait3A_36] : memref<64x16xf32, #tpu.memory_space<hbm>> -> memref<1x16xf32, #tpu.memory_space<hbm>>
      %dma_wait3A_38 = arith.constant 0 : i32
      %dma_wait3A_39 = arith.constant 0 : i32
      %dma_wait3A_40 = tpu.memref_slice %arg7[%dma_wait3A_38, %dma_wait3A_39] : memref<2x16xf32, #tpu.memory_space<vmem>> -> memref<1x16xf32, #tpu.memory_space<vmem>>
      tpu.wait_dma2 semaphore(%run_scoped3A : memref<!tpu.dma_semaphore, #tpu.memory_space<semaphore_mem>>) src(%dma_wait3A_40 : memref<1x16xf32, #tpu.memory_space<vmem>>) dst(%dma_wait3A_37 : memref<1x16xf32, #tpu.memory_space<hbm>>)
      tpu.yield
    }) : () -> ()
    %add3A_21 = arith.constant 32 : i32
    %add3A_22 = arith.addi %add3A_21, %add3A : i32
    "tpu.region"() ({
      %run_scoped3A = tpu.sem_alloc : memref<!tpu.dma_semaphore, #tpu.memory_space<semaphore_mem>>
      %dma_start3A = arith.constant 1 : i32
      %dma_start3A_23 = arith.constant 0 : i32
      %dma_start3A_24 = tpu.memref_slice %arg7[%dma_start3A, %dma_start3A_23] : memref<2x16xf32, #tpu.memory_space<vmem>> -> memref<1x16xf32, #tpu.memory_space<vmem>>
      %dma_start3A_25 = arith.constant 0 : i32
      %dma_start3A_26 = tpu.memref_slice %arg4[%add3A_22, %dma_start3A_25] : memref<64x16xf32, #tpu.memory_space<hbm>> -> memref<1x16xf32, #tpu.memory_space<hbm>>
      %dma_start3A_27 = arith.constant 0 : i32
      %dma_start3A_28 = tpu.memref_slice %arg4[%add3A_22, %dma_start3A_27] : memref<64x16xf32, #tpu.memory_space<hbm>> -> memref<1x16xf32, #tpu.memory_space<hbm>>
      %dma_start3A_29 = arith.constant 1 : i32
      %dma_start3A_30 = arith.constant 0 : i32
      %dma_start3A_31 = tpu.memref_slice %arg7[%dma_start3A_29, %dma_start3A_30] : memref<2x16xf32, #tpu.memory_space<vmem>> -> memref<1x16xf32, #tpu.memory_space<vmem>>
      tpu.enqueue_dma source(%dma_start3A_31 : memref<1x16xf32, #tpu.memory_space<vmem>>) target(%dma_start3A_28 : memref<1x16xf32, #tpu.memory_space<hbm>>) target_semaphore(%run_scoped3A : memref<!tpu.dma_semaphore, #tpu.memory_space<semaphore_mem>>)
      %dma_wait3A = arith.constant 1 : i32
      %dma_wait3A_32 = arith.constant 0 : i32
      %dma_wait3A_33 = tpu.memref_slice %arg7[%dma_wait3A, %dma_wait3A_32] : memref<2x16xf32, #tpu.memory_space<vmem>> -> memref<1x16xf32, #tpu.memory_space<vmem>>
      %dma_wait3A_34 = arith.constant 0 : i32
      %dma_wait3A_35 = tpu.memref_slice %arg4[%add3A_22, %dma_wait3A_34] : memref<64x16xf32, #tpu.memory_space<hbm>> -> memref<1x16xf32, #tpu.memory_space<hbm>>
      %dma_wait3A_36 = arith.constant 0 : i32
      %dma_wait3A_37 = tpu.memref_slice %arg4[%add3A_22, %dma_wait3A_36] : memref<64x16xf32, #tpu.memory_space<hbm>> -> memref<1x16xf32, #tpu.memory_space<hbm>>
      %dma_wait3A_38 = arith.constant 1 : i32
      %dma_wait3A_39 = arith.constant 0 : i32
      %dma_wait3A_40 = tpu.memref_slice %arg7[%dma_wait3A_38, %dma_wait3A_39] : memref<2x16xf32, #tpu.memory_space<vmem>> -> memref<1x16xf32, #tpu.memory_space<vmem>>
      tpu.wait_dma2 semaphore(%run_scoped3A : memref<!tpu.dma_semaphore, #tpu.memory_space<semaphore_mem>>) src(%dma_wait3A_40 : memref<1x16xf32, #tpu.memory_space<vmem>>) dst(%dma_wait3A_37 : memref<1x16xf32, #tpu.memory_space<hbm>>)
      tpu.yield
    }) : () -> ()
    return
  }
}

module attributes {stable_mosaic.version = 14 : i64} {
  func.func @_matmul_body(%arg0: i32, %arg1: memref<2048x1024xf32, #tpu.memory_space<vmem>>, %arg2: memref<1024x16xf32, #tpu.memory_space<vmem>>, %arg3: memref<2048x16xf32, #tpu.memory_space<vmem>>) attributes {dimension_semantics = [#tpu.dimension_semantics<arbitrary>], iteration_bounds = array<i64: 2>, scalar_prefetch = 0 : i64, scratch_operands = 0 : i64, tpu.core_type = #tpu.core_type<tc>, window_params = [{transform_indices = @transform_0, window_bounds = array<i64: 2048, 1024>}, {pipeline_mode = #tpu.pipeline_mode<synchronous>, transform_indices = @transform_1, window_bounds = array<i64: 1024, 16>}, {transform_indices = @transform_2, window_bounds = array<i64: 2048, 16>}]} {
    %get3A = arith.constant 0 : index
    %get3A_0 = arith.constant 0 : index
    %get3A_1 = vector.load %arg1[%get3A, %get3A_0] : memref<2048x1024xf32, #tpu.memory_space<vmem>>, vector<2048x1024xf32>
    %get3A_2 = arith.constant 0 : index
    %get3A_3 = arith.constant 0 : index
    %get3A_4 = vector.load %arg2[%get3A_2, %get3A_3] : memref<1024x16xf32, #tpu.memory_space<vmem>>, vector<1024x16xf32>
    %dot_general3A = arith.constant dense<0.000000e+00> : vector<2048x16xf32>
    %dot_general3A_5 = tpu.matmul %get3A_1, %get3A_4, %dot_general3A {dimension_numbers = #tpu.dot_dimension_numbers<[1], [0], [0], [1], [0, 0, 1, 1], [], []>, transpose_lhs_hint = false} : vector<2048x1024xf32>, vector<1024x16xf32>, vector<2048x16xf32> -> vector<2048x16xf32>
    %swap3A = arith.constant 0 : index
    %swap3A_6 = arith.constant 0 : index
    %swap3A_7 = vector.load %arg3[%swap3A, %swap3A_6] : memref<2048x16xf32, #tpu.memory_space<vmem>>, vector<2048x16xf32>
    tpu.vector_store %arg3[%swap3A, %swap3A_6], %dot_general3A_5 {strides = array<i32>} : memref<2048x16xf32, #tpu.memory_space<vmem>>, vector<2048x16xf32>,
    return
  }
  func.func @transform_0(%arg0: i32) -> (i32, i32) {
    %c0_i32 = arith.constant 0 : i32
    %c0_i32_0 = arith.constant 0 : i32
    return %arg0, %c0_i32 : i32, i32
  }
  func.func @transform_1(%arg0: i32) -> (i32, i32) {
    %c0_i32 = arith.constant 0 : i32
    %c0_i32_0 = arith.constant 0 : i32
    %c0_i32_1 = arith.constant 0 : i32
    return %c0_i32, %c0_i32_0 : i32, i32
  }
  func.func @transform_2(%arg0: i32) -> (i32, i32) {
    %c0_i32 = arith.constant 0 : i32
    %c0_i32_0 = arith.constant 0 : i32
    return %arg0, %c0_i32 : i32, i32
  }
}

module attributes {stable_mosaic.version = 14 : i64} {
  func.func @_combine_body(%arg0: memref<128x16xf32, #tpu.memory_space<vmem>>, %arg1: memref<1x1xf32, #tpu.memory_space<smem>>) attributes {dimension_semantics = [], scalar_prefetch = 0 : i64, scratch_operands = 0 : i64, tpu.core_type = #tpu.core_type<tc>} {
    %broadcast_in_dim3A = arith.constant 0.000000e+00 : f32
    %broadcast_in_dim3A_0 = vector.broadcast %broadcast_in_dim3A : f32 to vector<16xf32>
    %broadcast_in_dim3A_1 = arith.constant 0.000000e+00 : f32
    %broadcast_in_dim3A_2 = vector.broadcast %broadcast_in_dim3A_1 : f32 to vector<16xf32>
    %get3A = arith.constant 0 : index
    %get3A_3 = arith.constant 0 : index
    %get3A_4 = vector.load %arg0[%get3A, %get3A_3] : memref<128x16xf32, #tpu.memory_space<vmem>>, vector<32x16xf32>
    %reduce_sum3A = arith.constant dense<0.000000e+00> : vector<16xf32>
    %reduce_sum3A_5 = vector.multi_reduction <add>, %get3A_4, %reduce_sum3A [0] : vector<32x16xf32> to vector<16xf32>
    %add3A = arith.addf %broadcast_in_dim3A_0, %reduce_sum3A_5 : vector<16xf32>
    %get3A_6 = arith.constant 32 : index
    %get3A_7 = arith.constant 0 : index
    %get3A_8 = vector.load %arg0[%get3A_6, %get3A_7] : memref<128x16xf32, #tpu.memory_space<vmem>>, vector<32x16xf32>
    %reduce_sum3A_9 = arith.constant dense<0.000000e+00> : vector<16xf32>
    %reduce_sum3A_10 = vector.multi_reduction <add>, %get3A_8, %reduce_sum3A_9 [0] : vector<32x16xf32> to vector<16xf32>
    %add3A_11 = arith.addf %broadcast_in_dim3A_2, %reduce_sum3A_10 : vector<16xf32>
    %get3A_12 = arith.constant 64 : index
    %get3A_13 = arith.constant 0 : index
    %get3A_14 = vector.load %arg0[%get3A_12, %get3A_13] : memref<128x16xf32, #tpu.memory_space<vmem>>, vector<32x16xf32>
    %reduce_sum3A_15 = arith.constant dense<0.000000e+00> : vector<16xf32>
    %reduce_sum3A_16 = vector.multi_reduction <add>, %get3A_14, %reduce_sum3A_15 [0] : vector<32x16xf32> to vector<16xf32>
    %add3A_17 = arith.addf %add3A, %reduce_sum3A_16 : vector<16xf32>
    %get3A_18 = arith.constant 96 : index
    %get3A_19 = arith.constant 0 : index
    %get3A_20 = vector.load %arg0[%get3A_18, %get3A_19] : memref<128x16xf32, #tpu.memory_space<vmem>>, vector<32x16xf32>
    %reduce_sum3A_21 = arith.constant dense<0.000000e+00> : vector<16xf32>
    %reduce_sum3A_22 = vector.multi_reduction <add>, %get3A_20, %reduce_sum3A_21 [0] : vector<32x16xf32> to vector<16xf32>
    %add3A_23 = arith.addf %add3A_11, %reduce_sum3A_22 : vector<16xf32>
    %reduce_sum3A_24 = vector.shape_cast %add3A_17 : vector<16xf32> to vector<1x16xf32>
    %reduce_sum3A_25 = arith.constant dense<0.000000e+00> : vector<1xf32>
    %reduce_sum3A_26 = vector.multi_reduction <add>, %reduce_sum3A_24, %reduce_sum3A_25 [1] : vector<1x16xf32> to vector<1xf32>
    %reduce_sum3A_27 = vector.shape_cast %reduce_sum3A_26 : vector<1xf32> to vector<1x1xf32>
    %reduce_sum3A_28 = vector.extract %reduce_sum3A_27[0, 0] : f32 from vector<1x1xf32>
    %div3A = arith.constant 1.600000e+01 : f32
    %div3A_29 = arith.divf %reduce_sum3A_28, %div3A : f32
    %reduce_sum3A_30 = vector.shape_cast %add3A_23 : vector<16xf32> to vector<1x16xf32>
    %reduce_sum3A_31 = arith.constant dense<0.000000e+00> : vector<1xf32>
    %reduce_sum3A_32 = vector.multi_reduction <add>, %reduce_sum3A_30, %reduce_sum3A_31 [1] : vector<1x16xf32> to vector<1xf32>
    %reduce_sum3A_33 = vector.shape_cast %reduce_sum3A_32 : vector<1xf32> to vector<1x1xf32>
    %reduce_sum3A_34 = vector.extract %reduce_sum3A_33[0, 0] : f32 from vector<1x1xf32>
    %div3A_35 = arith.constant 1.600000e+01 : f32
    %div3A_36 = arith.divf %reduce_sum3A_34, %div3A_35 : f32
    %sub3A = vector.broadcast %div3A_29 : f32 to vector<16xf32>
    %sub3A_37 = arith.subf %add3A_17, %sub3A : vector<16xf32>
    %integer_pow3A = arith.mulf %sub3A_37, %sub3A_37 : vector<16xf32>
    %reduce_sum3A_38 = vector.shape_cast %integer_pow3A : vector<16xf32> to vector<1x16xf32>
    %reduce_sum3A_39 = arith.constant dense<0.000000e+00> : vector<1xf32>
    %reduce_sum3A_40 = vector.multi_reduction <add>, %reduce_sum3A_38, %reduce_sum3A_39 [1] : vector<1x16xf32> to vector<1xf32>
    %reduce_sum3A_41 = vector.shape_cast %reduce_sum3A_40 : vector<1xf32> to vector<1x1xf32>
    %reduce_sum3A_42 = vector.extract %reduce_sum3A_41[0, 0] : f32 from vector<1x1xf32>
    %div3A_43 = arith.constant 1.500000e+01 : f32
    %div3A_44 = arith.divf %reduce_sum3A_42, %div3A_43 : f32
    %sub3A_45 = vector.broadcast %div3A_36 : f32 to vector<16xf32>
    %sub3A_46 = arith.subf %add3A_23, %sub3A_45 : vector<16xf32>
    %integer_pow3A_47 = arith.mulf %sub3A_46, %sub3A_46 : vector<16xf32>
    %reduce_sum3A_48 = vector.shape_cast %integer_pow3A_47 : vector<16xf32> to vector<1x16xf32>
    %reduce_sum3A_49 = arith.constant dense<0.000000e+00> : vector<1xf32>
    %reduce_sum3A_50 = vector.multi_reduction <add>, %reduce_sum3A_48, %reduce_sum3A_49 [1] : vector<1x16xf32> to vector<1xf32>
    %reduce_sum3A_51 = vector.shape_cast %reduce_sum3A_50 : vector<1xf32> to vector<1x1xf32>
    %reduce_sum3A_52 = vector.extract %reduce_sum3A_51[0, 0] : f32 from vector<1x1xf32>
    %div3A_53 = arith.constant 1.500000e+01 : f32
    %div3A_54 = arith.divf %reduce_sum3A_52, %div3A_53 : f32
    %mul3A = arith.mulf %div3A_29, %div3A_29 : f32
    %add3A_55 = arith.constant 1.000000e-10 : f32
    %add3A_56 = arith.addf %mul3A, %add3A_55 : f32
    %div3A_57 = arith.divf %div3A_44, %add3A_56 : f32
    %mul3A_58 = arith.mulf %div3A_36, %div3A_36 : f32
    %add3A_59 = arith.constant 1.000000e-10 : f32
    %add3A_60 = arith.addf %mul3A_58, %add3A_59 : f32
    %div3A_61 = arith.divf %div3A_54, %add3A_60 : f32
    %add3A_62 = arith.addf %div3A_57, %div3A_61 : f32
    %mul3A_63 = arith.constant 0.00999999977 : f32
    %mul3A_64 = arith.mulf %mul3A_63, %add3A_62 : f32
    %swap3A = arith.constant 0 : index
    %swap3A_65 = arith.constant 0 : index
    %swap3A_66 = memref.load %arg1[%swap3A, %swap3A_65] : memref<1x1xf32, #tpu.memory_space<smem>>
    memref.store %mul3A_64, %arg1[%swap3A, %swap3A_65] : memref<1x1xf32, #tpu.memory_space<smem>>
    return
  }
}

</mosaic_0001>

<sc_bundles>
// kernel: kernel.10.cloned.1.call-start
scs
__scs_entry_jumppad:
0x0: {  	(pc) =	sbr.rel $0x88, $3  }
0x1: {  	(tag) =	ssettag $0x0;
	lr =	simm.s32 $0x1  }
0x2: {  	[smem:$0x3F9F] =	sst lr;
	_ =	strace $0xD0000000  }
0x3: {  	_ = 	snop  }
0x4: {  	_ = 	snop  }
0x5: {  	_ = 	snop  }
0x6: {  	_ = 	snop  }
0x7: {  	_ = 	snop  }
__scs_overlays_trampoline_lowered:
0x8: {  	[smem:$0x3FAE] =	sst s0  }
0x9: {  	[smem:$0x3FAF] =	sst s1  }
0xa: {  	[smem:$0x3FB0] =	sst s2  }
0xb: {  	[smem:$0x3FB1] =	sst s3  }
0xc: {  	[smem:$0x3FB2] =	sst s4  }
0xd: {  	[smem:$0x3FB3] =	sst s5  }
0xe: {  	[smem:$0x3FB4] =	sst s6  }
0xf: {  	[smem:$0x3FB5] =	sst s7  }
0x10: {  	[smem:$0x3FB6] =	sst s8  }
0x11: {  	[smem:$0x3FB7] =	sst s9;
	s0 =	simm.s32 @!p0 $0x0  }
0x12: {  	s1 =	sld [smem:$0x3F9D];
	s0 =	simm.s32 @p0 $0x1  }
0x13: {  	[smem:$0x3FB8] =	sst s0;
	s0 =	simm.s32 @!p1 $0x0  }
0x14: {  	s2 =	sld [smem:$0x3F9C];
	s0 =	simm.s32 @p1 $0x1  }
0x15: {  	[smem:$0x3FB9] =	sst s0;
	s0 =	simm.s32 @!p2 $0x0  }
0x16: {  	s3 =	sld [smem:$0x3FDB];
	s0 =	simm.s32 @p2 $0x1  }
0x17: {  	s4 =	simm.s32 $0x1BF5;
	[smem:$0x3FBB] =	sst s0  }
0x18: {  	s0 =	sld [smem:$0x3F9E];
	_ =	swait.ge [sflag:s4], $0x0  }
0x19: {  	s7 =	sld [smem:$0x3F9F]  }
0x1a: {  	s8 =	sadd.s32 $0xFFFFE003, lr  }
0x1b: {  	s9 =	sadd.s32 $0xFFFFFEF7, lr;
	s5 =	simm.s32 $0xFFFFFFFF;
	p2 =	slt.u32 s8, $0xFFFFF086  }
0x1c: {  	p1 =	slt.u32 s9, $0xF7A;
	s5 =	simm.s32 @!p2 $0x0  }
0x1d: {  	s5 =	simm.s32 @p1 $0x1;
	p0 =	seq.s32 s7, s2  }
0x1e: {  	s7 =	smul.u32 @!p0 $0xF7A, s2;
	p2 =	seq.s32 @!p0 s5, $0x0  }
0x1f: {  	s9 =	smul.u32 $0xF7A, s1;
	s8 =	simm.s32 @!p0 $0x1BF5;
	p2 =	por !p2, p0  }
0x20: {  	[sflag:s8] =	ssyncset.s32 @!p0 $0xFFFFF086;
	s6 =	sadd.s32 @!p0 s3, s7;
	s7 =	simm.s32 @!p0 $0x108  }
0x21: {  	s3 =	sadd.s32 s3, s9;
	s6 =	sadd.s32 @!p0 $0x88, s6;
	s7 =	simm.s32 @p2 $0x1082  }
0x22: {  	[simem:s7], [sflag:s8] =	dma.local @!p0 [hbm:s6], $0xF7A  }
0x23: {  	s9 =	sor.u32 $0xD0000000, s2;
	s6 =	simm.s32 $0x108;
	_ =	swait.ge @!p0 [sflag:s8], $0x0  }
0x24: {  	s3 =	sadd.s32 $0x88, s3;
	s6 =	simm.s32 @!p1 $0x1082;
	[sflag:s4] =	ssyncset.s32 $0xFFFFF086  }
0x25: {  	[simem:s6], [sflag:s4] =	dma.local [hbm:s3], $0xF7A  }
0x26: {  	[smem:$0x3F9F] =	sst s1;
	(tag) =	ssettag s2;
	_ =	strace s9  }
0x27: {  	s1 =	sld [smem:$0x3FAF]  }
0x28: {  	s2 =	sld [smem:$0x3FB0]  }
0x29: {  	s4 =	sld [smem:$0x3FB2]  }
0x2a: {  	p0 =	seq.s32 s5, $0x0;
	s5 =	sld [smem:$0x3FB3]  }
0x2b: {  	s6 =	sld [smem:$0x3FB4]  }
0x2c: {  	s7 =	sld [smem:$0x3FB5]  }
0x2d: {  	s3 =	simm.s32 $0x108;
	s8 =	sld [smem:$0x3FB6]  }
0x2e: {  	s3 =	simm.s32 @!p0 $0x1082;
	s9 =	sld [smem:$0x3FB7]  }
0x2f: {  	lr =	sadd.s32 s0, s3;
	s0 =	sld [smem:$0x3FAE]  }
0x30: {  	s3 =	sld [smem:$0x3FB1]  }
0x31: {  	[smem:$0x3FBA] =	sst s10  }
0x32: {  	s10 =	sld [smem:$0x3FB8];
	_ =	sdelay $0x3  }
0x33: {  	p0 =	seq.s32 s10, $0x1;
	s10 =	sld [smem:$0x3FBA];
	_ =	sdelay $0x3  }
0x34: {  	[smem:$0x3FBA] =	sst s10  }
0x35: {  	s10 =	sld [smem:$0x3FB9];
	_ =	sdelay $0x3  }
0x36: {  	p1 =	seq.s32 s10, $0x1;
	s10 =	sld [smem:$0x3FBA];
	_ =	sdelay $0x3  }
0x37: {  	[smem:$0x3FBA] =	sst s10  }
0x38: {  	s10 =	sld [smem:$0x3FBB]  }
0x39: {  	_ = 	snop;
	(pc) =	sbr.ind lr, $3  }
0x3a: {  	_ = 	snop  }
0x3b: {  	_ = 	snop  }
0x3c: {  	p2 =	seq.s32 s10, $0x1;
	s10 =	sld [smem:$0x3FBA]  }
0x3d: {  	_ =	shalt  }
0x3e: {  	_ =	shalt  }
0x3f: {  	_ =	shalt  }
0x40: {  	_ =	shalt  }
0x41: {  	_ =	shalt  }
0x42: {  	_ =	shalt  }
0x43: {  	_ =	shalt  }
0x44: {  	_ =	shalt  }
0x45: {  	_ =	shalt  }
0x46: {  	_ =	shalt  }
0x47: {  	_ =	shalt  }
0x48: {  	_ =	shalt  }
0x49: {  	_ =	shalt  }
0x4a: {  	_ =	shalt  }
0x4b: {  	_ =	shalt  }
0x4c: {  	_ =	shalt  }
0x4d: {  	_ =	shalt  }
0x4e: {  	_ =	shalt  }
0x4f: {  	_ =	shalt  }
0x50: {  	_ =	shalt  }
0x51: {  	_ =	shalt  }
0x52: {  	_ =	shalt  }
0x53: {  	_ =	shalt  }
0x54: {  	_ =	shalt  }
0x55: {  	_ =	shalt  }
0x56: {  	_ =	shalt  }
0x57: {  	_ =	shalt  }
0x58: {  	_ =	shalt  }
0x59: {  	_ =	shalt  }
0x5a: {  	_ =	shalt  }
0x5b: {  	_ =	shalt  }
0x5c: {  	_ =	shalt  }
0x5d: {  	_ =	shalt  }
0x5e: {  	_ =	shalt  }
0x5f: {  	_ =	shalt  }
0x60: {  	_ =	shalt  }
0x61: {  	_ =	shalt  }
0x62: {  	_ =	shalt  }
0x63: {  	_ =	shalt  }
0x64: {  	_ =	shalt  }
0x65: {  	_ =	shalt  }
0x66: {  	_ =	shalt  }
0x67: {  	_ =	shalt  }
0x68: {  	_ =	shalt  }
0x69: {  	_ =	shalt  }
0x6a: {  	_ =	shalt  }
0x6b: {  	_ =	shalt  }
0x6c: {  	_ =	shalt  }
0x6d: {  	_ =	shalt  }
0x6e: {  	_ =	shalt  }
0x6f: {  	_ =	shalt  }
0x70: {  	_ =	shalt  }
0x71: {  	_ =	shalt  }
0x72: {  	_ =	shalt  }
0x73: {  	_ =	shalt  }
0x74: {  	_ =	shalt  }
0x75: {  	_ =	shalt  }
0x76: {  	_ =	shalt  }
0x77: {  	_ =	shalt  }
0x78: {  	_ =	shalt  }
0x79: {  	_ =	shalt  }
0x7a: {  	_ =	shalt  }
0x7b: {  	_ =	shalt  }
0x7c: {  	_ =	shalt  }
0x7d: {  	_ =	shalt  }
0x7e: {  	_ =	shalt  }
0x7f: {  	_ =	shalt  }
0x80: {  	_ =	shalt  }
0x81: {  	_ =	shalt  }
0x82: {  	_ =	shalt  }
0x83: {  	_ =	shalt  }
0x84: {  	_ =	shalt  }
0x85: {  	_ =	shalt  }
0x86: {  	_ =	shalt  }
0x87: {  	_ =	shalt  }
.Lfunc_end0:
.L_simem_size_0:
called_computation.1_lowered:
.L_overlay_start_0:
0x88: {  	s2 =	sld [smem:$0x3FD9]  }
0x89: {  	s3 =	sld [smem:$0x3FFE];
	_ =	sdelay $0x1  }
0x8a: {  	s1 =	srdreg.scid  }
0x8b: {  	s0 =	sand.u32 $0x1, s1  }
0x8c: {  	s16 =	sshll.u32 s0, $0xA;
	s2 =	sadd.s32 s3, s2  }
0x8d: {  	s2 =	sadd.s32 s2, s16  }
0x8e: {  	[smem:$0x3FC6] =	sst s2  }
0x8f: {  	_ = 	snop  }
0x90: {  	(tm) =	ssettm $0x1  }
0x91: {  	s17 =	sld [smem:$0x3FFB];
	_ =	sdelay $0x3  }
0x92: {  	_ =	strace s17  }
0x93: {  	s2 =	sld [smem:$0x3FFC];
	_ =	sdelay $0x3  }
0x94: {  	_ =	strace s2  }
0x95: {  	s2 =	sld [smem:$0x3FFD];
	_ =	sdelay $0x3  }
0x96: {  	_ =	strace s2  }
0x97: {  	_ =	strace $0x8FFFFFFF  }
0x98: {  	s18 =	sld [smem:$0x3FDB];
	_ =	sdelay $0x1  }
0x99: {  	s19 =	simm.s32 $_scs_section_size  }
0x9a: {  	s4 =	simm.s32 $_size__tile_overlayer_lowered;
	s5 =	simm.s32 $_tile_overlayer_lowered  }
0x9b: {  	s22 =	simm.s32 $0x1BFF;
	s21 =	sshll.u32 s5, $0x1;
	s2 =	sadd.s32 s19, s18  }
0x9c: {  	s6 =	simm.s32 $0x0;
	s20 =	sshll.u32 s4, $0x1;
	s4 =	sadd.s32 s21, s2  }
0x9d: {  	[timem:s6], [sflag:s22] =	dma.local [hbm:s4], s20  }
0x9e: {  	_ =	swait.ge [sflag:s22], s20  }
0x9f: {  	s3 =	ssub.s32 $0x0, s20;
	[sflag:s22] =	ssyncset.done $0x0  }
0xa0: {  	[sflag:s22] =	ssyncadd.s32 s3;
	_ =	sdelay $0x1  }
0xa1: {  	s23 =	simm.s32 $0x1B8B  }
0xa2: {  	_ =	swait.ge [sflag:s23], $0x1  }
0xa3: {  	[sflag:s23] =	ssyncset.done $0x0  }
0xa4: {  	s25 =	simm.s32 $0x1B8E;
	s24 =	sld [smem:$0x3FFE];
	[sflag:s23] =	ssyncadd.s32 $0xFFFFFFFF  }
0xa5: {  	s26 =	simm.s32 $execute0_lowered;
	[smem:$0x3FD2] =	sst s25  }
0xa6: {  	s4 =	sshll.u32 s26, $0x1;
	_ =	strace $0x80000046;
	[dreg:$0x1] =	wrdreg $0xFFFFFFFF  }
0xa7: {  	s28 =	simm.s32 $_size_execute0_lowered;
	s2 =	sadd.s32 s2, s4;
	[dreg:$0x0] =	wrdreg $0x0  }
0xa8: {  	s4 =	sshll.u32 s28, $0x1;
	[dreg:$0x2] =	wrdreg s2  }
0xa9: {  	[dreg:$0x3] =	wrdreg s4  }
0xaa: {  	[dreg:$0x4] =	wrdreg $0xC0  }
0xab: {  	_ =	task [dreg:s6], $0x5FFFF  }
0xac: {  	[dreg:$0x1] =	wrdreg $0xFFFFFFFF  }
0xad: {  	[dreg:$0x0] =	wrdreg $0x60  }
0xae: {  	[dreg:$0x2] =	wrdreg s24  }
0xaf: {  	[dreg:$0x3] =	wrdreg $0xA  }
0xb0: {  	_ =	task.clear_ibuf [dreg:s6], $0x4FFFF;
	_ =	strace $0x90000046  }
0xb1: {  	s29 =	simm.s32 $0xA;
	_ =	strace $0x80000048  }
0xb2: {  	_ =	swait.ge [sflag:s29], $0x1  }
0xb3: {  	[sflag:s29] =	ssyncadd.s32 $0xFFFFFFFF  }
0xb4: {  	_ =	strace $0x90000048  }
0xb5: {  	_ =	sfence  }
0xb6: {  	s30 =	sld [smem:$0x0];
	_ =	sdelay $0x2  }
0xb7: {  	s31 =	sshll.u32 s1, $0xD;
	s1 =	sshrl.u32 s1, $0x2  }
0xb8: {  	s3 =	sand.u32 $0x4000, s31;
	s1 =	sadd.s32 s1, s30  }
0xb9: {  	s0 =	sor.u32 s3, s0;
	s1 =	sshll.u32 s1, $0x11  }
0xba: {  	s0 =	sor.u32 s1, s0  }
0xbb: {  	s0 =	sadd.s32 $0x8F2B, s0  }
0xbc: {  	[sflag:s0] =	ssyncadd.remote.s32 $0x1  }
0xbd: {  	_ =	sfence.sel $0xFFFF  }
0xbe: {  	[dreg:$0x0] =	wrdreg $0xFFFFFFFF;
	(pc) =	sbr.abs _section_cstart, $3  }
0xbf: {  	[dreg:$0x1] =	wrdreg $0xFFFFFFFF  }
0xc0: {  	_ =	task.clear_ibuf [dreg:s6], $0x2FFFF;
	_ =	strace $0x9FFFFFFF  }
0xc1: {  	(tm) =	ssettm $0x7FFFFFFF  }
tec
execute0_lowered:
.L_overlay_start_1:
0x0: {  	(tag) =	ssettag $0x1  }
0x1: {  	s3 =	rddreg [dreg:$0x0]  }
0x2: {  	s0 =	rddreg [dreg:$0x1];
	s4 =	srdreg.scid  }
0x3: {  	s1 =	stileid.u32;
	s2 =	simm.s32 $0x0;
	s9 =	simm.s32 $0x4000  }
0x4: {  	s10 =	simm.s32 $0x8000;
	s11 =	simm.s32 $0x8080;
	s12 =	simm.s32 $0x0  }
0x5: {  	s4 =	sand.u32 $0x1, s4;
	s5 =	sshll.u32 s1, $0x1;
	[smem:$0x7FF] =	sst s2  }
0x6: {  	s5 =	sor.u32 s4, s5;
	_ =	strace $0x80000047;
	s4 =	ssub.s32 $0x2, s4  }
0x7: {  	s6 =	sshll.u32 s5, $0xB;
	s5 =	sshll.u32 s5, $0x4;
	s7 =	sshrl.u32 s4, $0x1  }
0x8: {  	s6 =	sadd.s32 s6, s3;
	s8 =	sadd.s32 s5, s3;
	s7 =	ssub.s32 s4, s7  }
0x9: {  	v0 =	vimm.f32 $0.0e+00;
	v1 =	vlaneseq.u32;
	s3 =	sadd.s32 $0x81800, s6;
	s4 =	sadd.s32 $0x91800, s6;
	s5 =	sadd.s32 $0xA1800, s8  }
0xa: {  	v2 =	vimm.s32 $0x0;
	v3 =	vimm.f32 $1.000000000e+00;
	v1 =	vmul.u32 $0x80, v1;
	s6 =	sadd.s32 $0xA1A00, s8;
	s7 =	smax.u32 s7, $0x1;
	s8 =	simm.s32 $0x1  }
.LBB2_1:
0xb: {  	v4 =	vmov s2  }
0xc: {  	[tilespmem:s2], [sflag:$0x1] =	stream.linear.gather [hbm4b:s3+s2], $0x4000, $0x38;
	v4 =	vshll.u32 v4, $0x7;
	[tilespmem:$0x8100] =	vst v63  }
0xd: {  	_ =	swait.ge [sflag:s8], $0x4000;
	v4 =	vor.u32 v1, v4  }
0xe: {  	[sflag:s8] =	ssyncset.done $0x0;
	v5 =	vor.u32 $0x1, v4  }
0xf: {  	[sflag:s8] =	ssyncadd.s32 $0xFFFFC000  }
0x10: {  	[tilespmem:$0x8000] =	vst v0  }
0x11: {  	[tilespmem:$0x8080] =	vst v0  }
0x12: {  	v6 =	vor.u32 $0x2, v4;
	v7 =	vld.idx.msk [tilespmem:v4+s2+$0x0], $0xffff  }
0x13: {  	v5 =	vld.idx.msk [tilespmem:v5+s2+$0x0], $0xffff;
	_ =	sdelay $0x3  }
0x14: {  	v9 =	vimm.s32 $0x0;
	v8 =	vor.u32 $0x3, v4;
	v6 =	vld.idx.msk [tilespmem:v6+s2+$0x0], $0xffff  }
0x15: {  	vm2 =	vgt.f32 v5, v7;
	vm0 =	vlt.f32 v5, $-Inf;
	vm1 =	vgt.f32 v5, $-Inf  }
0x16: {  	v9 =	vsel vm2, $0xFFFFFFFF, v9;
	vm2 =	vmneg vm2;
	vm0 =	vmor vm1, vm0  }
0x17: {  	vm1 =	vmand vm2, vm0  }
0x18: {  	v10 =	vsel vm2, v7, v5;
	v5 =	vnsel vm1, $0xFF800000, v5  }
0x19: {  	v8 =	vld.idx.msk [tilespmem:v8+s2+$0x0], $0xffff;
	[tilespmem:$0x1FF30] =	vst v9;
	v9 =	vor.u32 $0x4, v4;
	vm11 =	vgt.f32 v6, v10;
	v5 =	vsel vm2, v5, v7  }
0x1a: {  	vm11 =	vmneg vm11;
	vm12 =	vgt.f32 v6, v5  }
0x1b: {  	v11 =	vimm.s32 $0x0;
	vm0 =	vmand vm11, vm12  }
0x1c: {  	v11 =	vsel vm0, $0xFFFFFFFF, v11  }
0x1d: {  	v5 =	vsel vm0, v6, v5;
	[tilespmem:$0x1FF20] =	vst v11;
	v11 =	vsel vm11, v10, v6  }
0x1e: {  	v7 =	vor.u32 $0x5, v4;
	v9 =	vld.idx.msk [tilespmem:v9+s2+$0x0], $0xffff;
	v5 =	vsel vm11, v5, v10;
	vm13 =	vgt.f32 v8, v11  }
0x1f: {  	vm14 =	vgt.f32 v8, v5;
	vm10 =	vmneg vm13  }
0x20: {  	v10 =	vimm.s32 $0x0;
	vm0 =	vmand vm10, vm14  }
0x21: {  	v10 =	vsel vm0, $0xFFFFFFFF, v10  }
0x22: {  	v5 =	vsel vm0, v8, v5;
	[tilespmem:$0x1FF40] =	vst v10;
	v10 =	vsel vm10, v11, v8  }
0x23: {  	v6 =	vor.u32 $0x6, v4;
	v7 =	vld.idx.msk [tilespmem:v7+s2+$0x0], $0xffff;
	v5 =	vsel vm10, v5, v11;
	vm15 =	vgt.f32 v9, v10  }
0x24: {  	vm4 =	vgt.f32 v9, v5;
	vm8 =	vmneg vm15  }
0x25: {  	v11 =	vimm.s32 $0x0;
	vm0 =	vmand vm8, vm4  }
0x26: {  	v11 =	vsel vm0, $0xFFFFFFFF, v11  }
0x27: {  	v5 =	vsel vm0, v9, v5;
	[tilespmem:$0x1FF50] =	vst v11;
	v11 =	vsel vm8, v10, v9  }
0x28: {  	v8 =	vor.u32 $0x7, v4;
	v6 =	vld.idx.msk [tilespmem:v6+s2+$0x0], $0xffff;
	v5 =	vsel vm8, v5, v10;
	vm5 =	vgt.f32 v7, v11  }
0x29: {  	vm6 =	vgt.f32 v7, v5;
	vm7 =	vmneg vm5  }
0x2a: {  	v10 =	vimm.s32 $0x0;
	vm0 =	vmand vm7, vm6  }
0x2b: {  	v10 =	vsel vm0, $0xFFFFFFFF, v10  }
0x2c: {  	v9 =	vor.u32 $0x8, v4;
	v5 =	vsel vm0, v7, v5;
	[tilespmem:$0x1FF60] =	vst v10;
	v10 =	vsel vm7, v11, v7  }
0x2d: {  	v8 =	vld.idx.msk [tilespmem:v8+s2+$0x0], $0xffff;
	v5 =	vsel vm7, v5, v11;
	vm9 =	vgt.f32 v6, v10  }
0x2e: {  	vm12 =	vgt.f32 v6, v5;
	vm9 =	vmneg vm9  }
0x2f: {  	v11 =	vimm.s32 $0x0;
	vm0 =	vmand vm9, vm12  }
0x30: {  	v7 =	vor.u32 $0x9, v4;
	v11 =	vsel vm0, $0xFFFFFFFF, v11  }
0x31: {  	v9 =	vld.idx.msk [tilespmem:v9+s2+$0x0], $0xffff;
	v5 =	vsel vm0, v6, v5;
	[tilespmem:$0x1FF70] =	vst v11;
	v11 =	vsel vm9, v10, v6  }
0x32: {  	v5 =	vsel vm9, v5, v10;
	vm13 =	vgt.f32 v8, v11  }
0x33: {  	vm14 =	vgt.f32 v8, v5;
	vm12 =	vmneg vm13  }
0x34: {  	vm0 =	vmand vm12, vm14  }
0x35: {  	v6 =	vor.u32 $0xA, v4;
	v7 =	vld.idx.msk [tilespmem:v7+s2+$0x0], $0xffff;
	v5 =	vsel vm0, v8, v5;
	v8 =	vsel vm12, v11, v8  }
0x36: {  	v5 =	vsel vm12, v5, v11;
	vm15 =	vgt.f32 v9, v8  }
0x37: {  	v10 =	vimm.s32 $0x0;
	vm14 =	vmneg vm15;
	vm4 =	vgt.f32 v9, v5  }
0x38: {  	v10 =	vsel vm0, $0xFFFFFFFF, v10;
	vm0 =	vmand vm14, vm4  }
0x39: {  	[tilespmem:$0x1FF80] =	vst v10;
	v10 =	vor.u32 $0xB, v4;
	v5 =	vsel vm0, v9, v5;
	v9 =	vsel vm14, v8, v9  }
0x3a: {  	v11 =	vimm.s32 $0x0;
	v6 =	vld.idx.msk [tilespmem:v6+s2+$0x0], $0xffff;
	v5 =	vsel vm14, v5, v8;
	vm5 =	vgt.f32 v7, v9  }
0x3b: {  	v11 =	vsel vm0, $0xFFFFFFFF, v11;
	vm15 =	vmneg vm5;
	vm6 =	vgt.f32 v7, v5  }
0x3c: {  	[tilespmem:$0x1FF90] =	vst v11;
	v11 =	vimm.s32 $0x0;
	vm0 =	vmand vm15, vm6  }
0x3d: {  	v11 =	vsel vm0, $0xFFFFFFFF, v11  }
0x3e: {  	v8 =	vor.u32 $0xC, v4;
	v5 =	vsel vm0, v7, v5;
	[tilespmem:$0x1FFA0] =	vst v11;
	v11 =	vsel vm15, v9, v7  }
0x3f: {  	v10 =	vld.idx.msk [tilespmem:v10+s2+$0x0], $0xffff;
	v5 =	vsel vm15, v5, v9;
	vm13 =	vgt.f32 v6, v11  }
0x40: {  	vm4 =	vgt.f32 v6, v5;
	vm6 =	vmneg vm13  }
0x41: {  	v9 =	vimm.s32 $0x0;
	vm0 =	vmand vm6, vm4  }
0x42: {  	v9 =	vsel vm0, $0xFFFFFFFF, v9  }
0x43: {  	v7 =	vor.u32 $0xD, v4;
	v8 =	vld.idx.msk [tilespmem:v8+s2+$0x0], $0xffff;
	v5 =	vsel vm0, v6, v5;
	[tilespmem:$0x1FFB0] =	vst v9;
	v9 =	vsel vm6, v11, v6  }
0x44: {  	v5 =	vsel vm6, v5, v11;
	vm5 =	vgt.f32 v10, v9  }
0x45: {  	vm13 =	vgt.f32 v10, v5;
	vm5 =	vmneg vm5  }
0x46: {  	vm0 =	vmand vm5, vm13  }
0x47: {  	v6 =	vor.u32 $0xE, v4;
	v5 =	vsel vm0, v10, v5;
	v10 =	vsel vm5, v9, v10  }
0x48: {  	v11 =	vimm.s32 $0x0;
	v7 =	vld.idx.msk [tilespmem:v7+s2+$0x0], $0xffff;
	v5 =	vsel vm5, v5, v9;
	vm4 =	vgt.f32 v8, v10  }
0x49: {  	v11 =	vsel vm0, $0xFFFFFFFF, v11;
	vm4 =	vmneg vm4;
	vm13 =	vgt.f32 v8, v5  }
0x4a: {  	[tilespmem:$0x1FFC0] =	vst v11;
	v11 =	vimm.s32 $0x0;
	vm0 =	vmand vm4, vm13  }
0x4b: {  	v11 =	vsel vm0, $0xFFFFFFFF, v11  }
0x4c: {  	v9 =	vor.u32 $0xF, v4;
	v5 =	vsel vm0, v8, v5;
	[tilespmem:$0x1FFD0] =	vst v11;
	v11 =	vsel vm4, v10, v8  }
0x4d: {  	v6 =	vld.idx.msk [tilespmem:v6+s2+$0x0], $0xffff;
	v5 =	vsel vm4, v5, v10;
	vm13 =	vgt.f32 v7, v11  }
0x4e: {  	vm3 =	vmneg vm13;
	vm13 =	vgt.f32 v7, v5  }
0x4f: {  	v8 =	vimm.s32 $0x0;
	vm0 =	vmand vm3, vm13  }
0x50: {  	v8 =	vsel vm0, $0xFFFFFFFF, v8  }
0x51: {  	v5 =	vsel vm0, v7, v5;
	[tilespmem:$0x1FFE0] =	vst v8;
	v8 =	vld.idx.msk [tilespmem:v9+s2+$0x0], $0xffff;
	v9 =	vsel vm3, v11, v7  }
0x52: {  	v5 =	vsel vm3, v5, v11;
	vm13 =	vgt.f32 v6, v9  }
0x53: {  	vm2 =	vmneg vm13;
	vm13 =	vgt.f32 v6, v5  }
0x54: {  	v10 =	vimm.s32 $0x0;
	v7 =	vsel vm1, $0x1, v2;
	vm1 =	vmand vm2, vm13  }
0x55: {  	v10 =	vsel vm1, $0xFFFFFFFF, v10  }
0x56: {  	[tilespmem:$0x1FFF0] =	vst v10;
	v10 =	vld [tilespmem:$0x1FF20];
	_ =	sdelay $0x4  }
0x57: {  	v5 =	vsel vm1, v6, v5;
	vm13 =	vnez.u8 v10;
	v10 =	vsel vm2, v9, v6;
	v6 =	vld [tilespmem:$0x1FF30];
	_ =	sdelay $0x4  }
0x58: {  	v5 =	vsel vm2, v5, v9;
	v9 =	vld [tilespmem:$0x1FF40];
	v7 =	vsel vm13, $0x2, v7;
	vm13 =	vnez.u8 v6  }
0x59: {  	v6 =	vsel vm13, $0x1, v2;
	vm13 =	vgt.f32 v8, v10  }
0x5a: {  	vm0 =	vgt.f32 v8, v5;
	vm1 =	vmneg vm13  }
0x5b: {  	vm0 =	vmand vm1, vm0  }
0x5c: {  	v5 =	vsel vm0, v8, v5  }
0x5d: {  	vm13 =	vnez.u8 v9;
	v9 =	vld [tilespmem:$0x1FF50];
	v8 =	vsel vm1, v10, v8;
	v5 =	vsel vm1, v5, v10  }
0x5e: {  	v5 =	vsub.f32 v5, v8;
	v8 =	vld [tilespmem:$0x1FF60];
	_ =	sdelay $0x1  }
0x5f: {  	v7 =	vsel vm11, v7, v6  }
0x60: {  	v6 =	vnsel vm11, $0x2, v6;
	v7 =	vsel vm13, $0x3, v7  }
0x61: {  	v7 =	vsel vm10, v7, v6;
	vm13 =	vnez.u8 v9  }
0x62: {  	v7 =	vsel vm13, $0x4, v7;
	vm13 =	vnez.u8 v8;
	v8 =	vld [tilespmem:$0x1FF70];
	_ =	sdelay $0x1  }
0x63: {  	v6 =	vnsel vm10, $0x3, v6  }
0x64: {  	v7 =	vsel vm8, v7, v6  }
0x65: {  	v6 =	vnsel vm8, $0x4, v6;
	v7 =	vsel vm13, $0x5, v7  }
0x66: {  	v5 =	vmul.f32 $1.442695020e+00, v5;
	v7 =	vsel vm7, v7, v6;
	vm10 =	vnez.u8 v8  }
0x67: {  	v6 =	vnsel vm7, $0x5, v6;
	v7 =	vsel vm10, $0x6, v7  }
0x68: {  	(erf) = vpow2.f32 v5;
	v5 =	vsel vm9, v7, v6;
	v7 =	vld [tilespmem:$0x1FF80];
	_ =	sdelay $0x4  }
0x69: {  	vm11 =	vnez.u8 v7;
	v7 =	vld [tilespmem:$0x1FF90];
	_ =	sdelay $0x4  }
0x6a: {  	vm13 =	vnez.u8 v7;
	v7 =	vld [tilespmem:$0x1FFA0];
	_ =	sdelay $0x4  }
0x6b: {  	v6 =	vnsel vm9, $0x6, v6;
	vm9 =	vnez.u8 v7;
	v7 =	vld [tilespmem:$0x1FFB0];
	_ =	sdelay $0x4  }
0x6c: {  	vm10 =	vnez.u8 v7;
	v7 =	vld [tilespmem:$0x1FFC0];
	_ =	sdelay $0x4  }
0x6d: {  	v5 =	vsel vm11, $0x7, v5;
	vm11 =	vnez.u8 v7;
	v7 =	vpop (erf)  }
0x6e: {  	v5 =	vsel vm12, v5, v6;
	v8 =	vadd.f32 $1.000000000e+00, v7  }
0x6f: {  	v6 =	vnsel vm12, $0x7, v6;
	v5 =	vsel vm13, $0x8, v5  }
0x70: {  	v5 =	vsel vm14, v5, v6;
	(erf) = vrcp.f32 v8;
	v8 =	vld [tilespmem:$0x1FFE0]  }
0x71: {  	v9 =	vld [tilespmem:$0x1FFD0];
	v6 =	vnsel vm14, $0x8, v6;
	v5 =	vsel vm9, $0x9, v5  }
0x72: {  	s13 =	simm.s32 $0x4400;
	v5 =	vsel vm15, v5, v6  }
0x73: {  	[tilespmem:s13+$0xFFFFFD80] =	vst v0;
	v6 =	vnsel vm15, $0x9, v6;
	v5 =	vsel vm10, $0xA, v5  }
0x74: {  	[tilespmem:s13+$0xFFFFFF00] =	vst v0;
	v5 =	vsel vm6, v5, v6  }
0x75: {  	[tilespmem:s13+$0xFFFFFF80] =	vst v0;
	v6 =	vnsel vm6, $0xA, v6;
	v5 =	vsel vm11, $0xB, v5;
	vm13 =	vnez.u8 v8;
	v8 =	vld [tilespmem:$0x1FFF0]  }
0x76: {  	[tilespmem:s13+$0x0] =	vst v0;
	vm12 =	vnez.u8 v9;
	v5 =	vsel vm5, v5, v6  }
0x77: {  	[tilespmem:s13+$0x100] =	vst v0;
	v6 =	vnsel vm5, $0xB, v6;
	v5 =	vsel vm12, $0xC, v5  }
0x78: {  	[tilespmem:s13+$0x80] =	vst v0;
	v5 =	vsel vm4, v5, v6  }
0x79: {  	[tilespmem:s13+$0x180] =	vst v0;
	v6 =	vnsel vm4, $0xC, v6;
	v5 =	vsel vm13, $0xD, v5  }
0x7a: {  	[tilespmem:s13+$0xFFFFFE00] =	vst v0;
	v5 =	vsel vm3, v5, v6;
	vm14 =	vnez.u8 v8  }
0x7b: {  	[tilespmem:s13+$0x200] =	vst v0;
	v6 =	vnsel vm3, $0xD, v6;
	v5 =	vsel vm14, $0xE, v5  }
0x7c: {  	[tilespmem:s13+$0x280] =	vst v0;
	v5 =	vsel vm2, v5, v6;
	v6 =	vnsel vm2, $0xE, v6  }
0x7d: {  	[tilespmem:s13+$0x300] =	vst v0;
	v5 =	vsel vm0, $0xF, v5;
	v8 =	vnsel vm1, $0xF, v6  }
0x7e: {  	[tilespmem:s13+$0x380] =	vst v0;
	v5 =	vsel vm1, v5, v6;
	v6 =	vor.u32 v4, v8  }
0x7f: {  	[tilespmem:s13+$0xFFFFFC00] =	vst v0;
	v9 =	vor.u32 v4, v5  }
0x80: {  	[tilespmem:s13+$0xFFFFFC80] =	vst v0  }
0x81: {  	s14 =	simm.s32 $0x10;
	[tilespmem:s13+$0xFFFFFE80] =	vst v0;
	v10 =	vpop (erf)  }
0x82: {  	[tilespmem:s13+$0xFFFFFD00] =	vst v0;
	v7 =	vmul.f32 v10, v7;
	v12 =	vor.u32 $0x80, v8;
	v4 =	vmov s14  }
0x83: {  	v4 =	vshll.u32 v4, $0x7;
	[tilespmem:v6+s9+$0x0] =	vst.idx.add.f32.msk $0xffff, v10  }
0x84: {  	vm15 =	vgt.f32 v7, $0.0e+00;
	v4 =	vor.u32 v1, v4;
	v6 =	vor.u32 $0x80, v5;
	[tilespmem:v9+s9+$0x0] =	vst.idx.add.f32.msk $0xffff, v7  }
0x85: {  	v17 =	vor.u32 $0x2, v4;
	v16 =	vor.u32 $0x3, v4;
	v15 =	vor.u32 $0x4, v4;
	[tilespmem:v8+s10+$0x0] =	vst.idx.add.f32.msk $0xffff, v10  }
0x86: {  	v14 =	vor.u32 $0x5, v4;
	v13 =	vor.u32 $0x6, v4;
	v9 =	vor.u32 $0x1, v4;
	[tilespmem:v5+s10+$0x0] =	vst.idx.add.f32.msk $0xffff, v7  }
0x87: {  	s14 =	simm.s32 $0x20;
	v11 =	vor.u32 $0x7, v4;
	v5 =	vor.u32 $0x8, v4;
	v7 =	vsel vm15, $0x3F800000, v0;
	[tilespmem:v12+s10+$0x0] =	vst.idx.add.f32.msk $0xffff, v3  }
.LBB2_2:
0x88: {  	p0 =	sne.s32 s14, $0x70  }
0x89: {  	v18 =	vor.u32 $0x9, v4;
	v12 =	vor.u32 $0xA, v4;
	v10 =	vor.u32 $0xB, v4;
	[tilespmem:v6+s10+$0x0] =	vst.idx.add.f32.msk $0xffff, v7;
	s13 =	sadd.s32 $0x800, s13;
	s15 =	smov.u32 s14;
	s14 =	sadd.s32 $0x10, s14  }
0x8a: {  	v8 =	vor.u32 $0xC, v4;
	v6 =	vor.u32 $0xD, v4;
	v7 =	vor.u32 $0xE, v4;
	v19 =	vld.idx.msk [tilespmem:v4+s2+$0x0], $0xffff  }
0x8b: {  	v20 =	vld.idx.msk [tilespmem:v9+s2+$0x0], $0xffff;
	v9 =	vor.u32 $0xF, v4;
	_ =	sdelay $0x2  }
0x8c: {  	v17 =	vld.idx.msk [tilespmem:v17+s2+$0x0], $0xffff;
	_ =	sdelay $0x2  }
0x8d: {  	vm0 =	vgt.f32 v20, v19;
	vm1 =	vlt.f32 v20, $-Inf;
	vm2 =	vgt.f32 v20, $-Inf  }
0x8e: {  	vm3 =	vmneg vm0;
	vm1 =	vmor vm2, vm1;
	v16 =	vld.idx.msk [tilespmem:v16+s2+$0x0], $0xffff  }
0x8f: {  	vm1 =	vmand vm3, vm1;
	v21 =	vsel vm3, v19, v20  }
0x90: {  	v20 =	vnsel vm1, $0xFF800000, v20;
	v22 =	vsel vm1, $0x1, v2;
	vm1 =	vgt.f32 v17, v21  }
0x91: {  	v19 =	vsel vm3, v20, v19  }
0x92: {  	vm1 =	vmneg vm1;
	vm2 =	vgt.f32 v17, v19;
	v15 =	vld.idx.msk [tilespmem:v15+s2+$0x0], $0xffff  }
0x93: {  	v20 =	vsel vm1, v21, v17;
	vm2 =	vmand vm1, vm2  }
0x94: {  	v17 =	vsel vm2, v17, v19;
	v19 =	vsel vm2, $0x2, v22;
	vm2 =	vgt.f32 v16, v20  }
0x95: {  	v17 =	vsel vm1, v17, v21;
	v14 =	vld.idx.msk [tilespmem:v14+s2+$0x0], $0xffff  }
0x96: {  	v21 =	vsel vm0, $0x1, v2;
	vm0 =	vmneg vm2;
	vm2 =	vgt.f32 v16, v17  }
0x97: {  	v19 =	vsel vm1, v19, v21;
	v22 =	vsel vm0, v20, v16;
	vm2 =	vmand vm0, vm2  }
0x98: {  	v16 =	vsel vm2, v16, v17;
	v17 =	vsel vm2, $0x3, v19;
	vm2 =	vgt.f32 v15, v22  }
0x99: {  	v19 =	vnsel vm1, $0x2, v21;
	v16 =	vsel vm0, v16, v20;
	vm1 =	vmneg vm2  }
0x9a: {  	v17 =	vsel vm0, v17, v19;
	vm2 =	vgt.f32 v15, v16;
	v20 =	vsel vm1, v22, v15;
	v13 =	vld.idx.msk [tilespmem:v13+s2+$0x0], $0xffff  }
0x9b: {  	v19 =	vnsel vm0, $0x3, v19;
	vm0 =	vmand vm1, vm2;
	vm2 =	vgt.f32 v14, v20  }
0x9c: {  	v15 =	vsel vm0, v15, v16;
	v16 =	vsel vm0, $0x4, v17  }
0x9d: {  	v15 =	vsel vm1, v15, v22;
	v16 =	vsel vm1, v16, v19;
	v11 =	vld.idx.msk [tilespmem:v11+s2+$0x0], $0xffff  }
0x9e: {  	vm0 =	vmneg vm2;
	vm2 =	vgt.f32 v14, v15  }
0x9f: {  	v17 =	vsel vm0, v20, v14;
	vm2 =	vmand vm0, vm2  }
0xa0: {  	v14 =	vsel vm2, v14, v15;
	vm3 =	vgt.f32 v13, v17  }
0xa1: {  	v15 =	vnsel vm1, $0x4, v19;
	v14 =	vsel vm0, v14, v20;
	vm1 =	vmneg vm3  }
0xa2: {  	v16 =	vsel vm2, $0x5, v16;
	vm2 =	vgt.f32 v13, v14;
	v19 =	vsel vm1, v17, v13  }
0xa3: {  	v16 =	vsel vm0, v16, v15;
	vm2 =	vmand vm1, vm2;
	vm3 =	vgt.f32 v11, v19;
	v5 =	vld.idx.msk [tilespmem:v5+s2+$0x0], $0xffff  }
0xa4: {  	v15 =	vnsel vm0, $0x5, v15;
	v13 =	vsel vm2, v13, v14;
	v14 =	vsel vm2, $0x6, v16  }
0xa5: {  	v13 =	vsel vm1, v13, v17;
	v14 =	vsel vm1, v14, v15;
	v15 =	vnsel vm1, $0x6, v15  }
0xa6: {  	vm0 =	vmneg vm3;
	vm1 =	vgt.f32 v11, v13  }
0xa7: {  	v16 =	vnsel vm0, $0x7, v15;
	vm1 =	vmand vm0, vm1;
	v17 =	vld.idx.msk [tilespmem:v18+s2+$0x0], $0xffff  }
0xa8: {  	v13 =	vsel vm1, v11, v13;
	v14 =	vsel vm1, $0x7, v14;
	v11 =	vsel vm0, v19, v11  }
0xa9: {  	v13 =	vsel vm0, v13, v19;
	v14 =	vsel vm0, v14, v15;
	vm0 =	vgt.f32 v5, v11  }
0xaa: {  	vm1 =	vmneg vm0;
	vm0 =	vgt.f32 v5, v13;
	v12 =	vld.idx.msk [tilespmem:v12+s2+$0x0], $0xffff  }
0xab: {  	vm0 =	vmand vm1, vm0  }
0xac: {  	v13 =	vsel vm0, v5, v13;
	v14 =	vsel vm0, $0x8, v14;
	v5 =	vsel vm1, v11, v5  }
0xad: {  	v11 =	vsel vm1, v13, v11;
	v13 =	vsel vm1, v14, v16;
	vm0 =	vgt.f32 v17, v5;
	v10 =	vld.idx.msk [tilespmem:v10+s2+$0x0], $0xffff  }
0xae: {  	vm0 =	vmneg vm0;
	vm2 =	vgt.f32 v17, v11  }
0xaf: {  	v14 =	vnsel vm1, $0x8, v16;
	vm1 =	vmand vm0, vm2;
	v15 =	vsel vm0, v5, v17  }
0xb0: {  	v11 =	vsel vm1, v17, v11;
	v13 =	vsel vm1, $0x9, v13;
	vm1 =	vgt.f32 v12, v15  }
0xb1: {  	v5 =	vsel vm0, v11, v5;
	v11 =	vsel vm0, v13, v14;
	vm1 =	vmneg vm1  }
0xb2: {  	vm2 =	vgt.f32 v12, v5;
	v13 =	vsel vm1, v15, v12  }
0xb3: {  	vm2 =	vmand vm1, vm2;
	vm3 =	vgt.f32 v10, v13;
	v8 =	vld.idx.msk [tilespmem:v8+s2+$0x0], $0xffff  }
0xb4: {  	v5 =	vsel vm2, v12, v5;
	v11 =	vsel vm2, $0xA, v11;
	v9 =	vld.idx.msk [tilespmem:v9+s2+$0x0], $0xffff  }
0xb5: {  	v5 =	vsel vm1, v5, v15;
	v7 =	vld.idx.msk [tilespmem:v7+s2+$0x0], $0xffff  }
0xb6: {  	vm2 =	vmneg vm3;
	vm3 =	vgt.f32 v10, v5;
	v6 =	vld.idx.msk [tilespmem:v6+s2+$0x0], $0xffff  }
0xb7: {  	vm3 =	vmand vm2, vm3;
	[tilespmem:s13+$0xFFFFFD80] =	vst v0  }
0xb8: {  	v12 =	vnsel vm0, $0x9, v14;
	v5 =	vsel vm3, v10, v5;
	v10 =	vsel vm2, v13, v10;
	[tilespmem:s13+$0xFFFFFF00] =	vst v0  }
0xb9: {  	v11 =	vsel vm1, v11, v12;
	v5 =	vsel vm2, v5, v13;
	vm0 =	vgt.f32 v8, v10;
	[tilespmem:s13+$0xFFFFFF80] =	vst v0  }
0xba: {  	v12 =	vnsel vm1, $0xA, v12;
	vm0 =	vmneg vm0;
	vm1 =	vgt.f32 v8, v5;
	[tilespmem:s13+$0x0] =	vst v0  }
0xbb: {  	v11 =	vsel vm3, $0xB, v11;
	vm1 =	vmand vm0, vm1;
	v13 =	vsel vm0, v10, v8;
	[tilespmem:s13+$0x100] =	vst v0  }
0xbc: {  	v14 =	vnsel vm2, $0xB, v12;
	v5 =	vsel vm1, v8, v5;
	vm3 =	vgt.f32 v6, v13;
	[tilespmem:s13+$0x80] =	vst v0  }
0xbd: {  	v8 =	vsel vm2, v11, v12;
	v5 =	vsel vm0, v5, v10;
	v10 =	vnsel vm0, $0xC, v14;
	[tilespmem:s13+$0x180] =	vst v0  }
0xbe: {  	v8 =	vsel vm1, $0xC, v8;
	vm1 =	vmneg vm3;
	vm2 =	vgt.f32 v6, v5;
	[tilespmem:s13+$0xFFFFFE00] =	vst v0  }
0xbf: {  	v11 =	vsel vm1, v13, v6;
	v12 =	vnsel vm1, $0xD, v10;
	vm2 =	vmand vm1, vm2;
	[tilespmem:s13+$0x200] =	vst v0  }
0xc0: {  	v8 =	vsel vm0, v8, v14;
	vm0 =	vgt.f32 v7, v11;
	v5 =	vsel vm2, v6, v5;
	[tilespmem:s13+$0x280] =	vst v0  }
0xc1: {  	v6 =	vsel vm2, $0xD, v8;
	v5 =	vsel vm1, v5, v13;
	[tilespmem:s13+$0x300] =	vst v0  }
0xc2: {  	v6 =	vsel vm1, v6, v10;
	vm1 =	vmneg vm0;
	vm0 =	vgt.f32 v7, v5;
	[tilespmem:s13+$0x380] =	vst v0  }
0xc3: {  	v8 =	vsel vm1, v11, v7;
	vm0 =	vmand vm1, vm0;
	[tilespmem:s13+$0xFFFFFC00] =	vst v0  }
0xc4: {  	v5 =	vsel vm0, v7, v5;
	v6 =	vsel vm0, $0xE, v6;
	vm0 =	vgt.f32 v9, v8;
	[tilespmem:s13+$0xFFFFFC80] =	vst v0  }
0xc5: {  	v5 =	vsel vm1, v5, v11;
	v6 =	vsel vm1, v6, v12;
	[tilespmem:s13+$0xFFFFFE80] =	vst v0  }
0xc6: {  	vm0 =	vmneg vm0;
	vm2 =	vgt.f32 v9, v5;
	[tilespmem:s13+$0xFFFFFD00] =	vst v0  }
0xc7: {  	vm2 =	vmand vm0, vm2  }
0xc8: {  	v7 =	vnsel vm1, $0xE, v12;
	v5 =	vsel vm2, v9, v5;
	v6 =	vsel vm2, $0xF, v6  }
0xc9: {  	v5 =	vsel vm0, v5, v8;
	v10 =	vsel vm0, v6, v7;
	v6 =	vsel vm0, v8, v9  }
0xca: {  	v5 =	vsub.f32 v5, v6;
	v8 =	vor.u32 v4, v10;
	_ =	sdelay $0x1  }
0xcb: {  	v5 =	vmul.f32 $1.442695020e+00, v5;
	_ =	sdelay $0x1  }
0xcc: {  	(erf) = vpow2.f32 v5;
	_ =	sdelay $0x8  }
0xcd: {  	v5 =	vpop (erf)  }
0xce: {  	v6 =	vadd.f32 $1.000000000e+00, v5;
	_ =	sdelay $0x1  }
0xcf: {  	(erf) = vrcp.f32 v6;
	_ =	sdelay $0x4  }
0xd0: {  	v7 =	vnsel vm0, $0xF, v7  }
0xd1: {  	v4 =	vor.u32 v4, v7;
	_ =	sdelay $0x2  }
0xd2: {  	v11 =	vpop (erf)  }
0xd3: {  	v12 =	vor.u32 $0x80, v7;
	v6 =	vmov s15;
	v5 =	vmul.f32 v11, v5  }
.Ltmp0:
0xd4: {  	v9 =	vshll.u32 v6, $0x7;
	v6 =	vor.u32 $0x80, v10;
	[tilespmem:v4+s9+$0x0] =	vst.idx.add.f32.msk $0xffff, v11;
	(pc) =	sbr.rel @p0 .LBB2_2-.Ltmp0, $4  }
0xd5: {  	v4 =	vor.u32 v1, v9;
	[tilespmem:v8+s9+$0x0] =	vst.idx.add.f32.msk $0xffff, v5;
	vm0 =	vgt.f32 v5, $0.0e+00  }
0xd6: {  	v9 =	vor.u32 $0x1, v4;
	v17 =	vor.u32 $0x2, v4;
	v16 =	vor.u32 $0x3, v4;
	[tilespmem:v7+s10+$0x0] =	vst.idx.add.f32.msk $0xffff, v11  }
0xd7: {  	v15 =	vor.u32 $0x4, v4;
	v14 =	vor.u32 $0x5, v4;
	v13 =	vor.u32 $0x6, v4;
	[tilespmem:v10+s10+$0x0] =	vst.idx.add.f32.msk $0xffff, v5  }
0xd8: {  	v11 =	vor.u32 $0x7, v4;
	v7 =	vsel vm0, $0x3F800000, v0;
	v5 =	vor.u32 $0x8, v4;
	[tilespmem:v12+s10+$0x0] =	vst.idx.add.f32.msk $0xffff, v3  }
0xd9: {  	_ =	sdelay $0x3  }
0xda: {  	[tilespmem:v6+s10+$0x0] =	vst.idx.add.f32.msk $0xffff, v7  }
0xdb: {  	v6 =	vld.idx.msk [tilespmem:v4+s2+$0x0], $0xffff  }
0xdc: {  	v7 =	vld.idx.msk [tilespmem:v9+s2+$0x0], $0xffff;
	_ =	sdelay $0x3  }
0xdd: {  	v55 =	vimm.s32 $0x0;
	v8 =	vld.idx.msk [tilespmem:v17+s2+$0x0], $0xffff  }
0xde: {  	vm2 =	vgt.f32 v7, v6;
	vm0 =	vlt.f32 v7, $-Inf;
	vm1 =	vgt.f32 v7, $-Inf  }
0xdf: {  	v9 =	vsel vm2, $0xFFFFFFFF, v55;
	vm2 =	vmneg vm2;
	vm0 =	vmor vm1, vm0  }
0xe0: {  	vm1 =	vmand vm2, vm0  }
0xe1: {  	v56 =	vld.idx.msk [tilespmem:v16+s2+$0x0], $0xffff;
	v10 =	vsel vm2, v6, v7;
	v7 =	vnsel vm1, $0xFF800000, v7  }
0xe2: {  	vm4 =	vgt.f32 v8, v10;
	v6 =	vsel vm2, v7, v6  }
0xe3: {  	vm11 =	vmneg vm4;
	vm5 =	vgt.f32 v8, v6  }
0xe4: {  	vm13 =	vmand vm11, vm5  }
0xe5: {  	v57 =	vld.idx.msk [tilespmem:v15+s2+$0x0], $0xffff;
	v12 =	vsel vm11, v10, v8;
	v6 =	vsel vm13, v8, v6  }
0xe6: {  	vm6 =	vgt.f32 v56, v12;
	v6 =	vsel vm11, v6, v10  }
0xe7: {  	vm10 =	vmneg vm6;
	vm7 =	vgt.f32 v56, v6  }
0xe8: {  	vm0 =	vmand vm10, vm7  }
0xe9: {  	v59 =	vld.idx.msk [tilespmem:v14+s2+$0x0], $0xffff;
	v60 =	vsel vm10, v12, v56;
	v6 =	vsel vm0, v56, v6  }
0xea: {  	vm8 =	vgt.f32 v57, v60;
	v6 =	vsel vm10, v6, v12  }
0xeb: {  	v58 =	vimm.s32 $0x0;
	vm8 =	vmneg vm8;
	vm9 =	vgt.f32 v57, v6  }
0xec: {  	v8 =	vsel vm0, $0xFFFFFFFF, v58;
	vm0 =	vmand vm8, vm9  }
0xed: {  	v63 =	vld.idx.msk [tilespmem:v13+s2+$0x0], $0xffff;
	v62 =	vsel vm8, v60, v57;
	v6 =	vsel vm0, v57, v6  }
0xee: {  	vm12 =	vgt.f32 v59, v62;
	v6 =	vsel vm8, v6, v60  }
0xef: {  	v61 =	vimm.s32 $0x0;
	vm7 =	vmneg vm12;
	vm14 =	vgt.f32 v59, v6  }
0xf0: {  	[tilespmem:$0x1FE50] =	vst v9;
	v9 =	vsel vm0, $0xFFFFFFFF, v61;
	vm0 =	vmand vm7, vm14  }
0xf1: {  	v15 =	vld.idx.msk [tilespmem:v11+s2+$0x0], $0xffff;
	v16 =	vsel vm7, v62, v59;
	v6 =	vsel vm0, v59, v6  }
0xf2: {  	vm15 =	vgt.f32 v63, v16;
	v6 =	vsel vm7, v6, v62  }
0xf3: {  	v14 =	vimm.s32 $0x0;
	vm9 =	vmneg vm15;
	vm4 =	vgt.f32 v63, v6  }
0xf4: {  	v17 =	vor.u32 $0x9, v4;
	v7 =	vsel vm0, $0xFFFFFFFF, v14;
	vm0 =	vmand vm9, vm4  }
0xf5: {  	v5 =	vld.idx.msk [tilespmem:v5+s2+$0x0], $0xffff;
	v19 =	vsel vm9, v16, v63;
	v6 =	vsel vm0, v63, v6  }
0xf6: {  	vm5 =	vgt.f32 v15, v19;
	v6 =	vsel vm9, v6, v16  }
0xf7: {  	v18 =	vimm.s32 $0x0;
	[tilespmem:$0x1FE60] =	vst v8;
	vm12 =	vmneg vm5;
	vm6 =	vgt.f32 v15, v6  }
0xf8: {  	v20 =	vor.u32 $0xA, v4;
	[tilespmem:$0x1FE70] =	vst v9;
	v9 =	vsel vm0, $0xFFFFFFFF, v18;
	vm0 =	vmand vm12, vm6  }
0xf9: {  	v8 =	vld.idx.msk [tilespmem:v17+s2+$0x0], $0xffff;
	[tilespmem:$0x1FE80] =	vst v7;
	v7 =	vsel vm12, v19, v15;
	v6 =	vsel vm0, v15, v6  }
0xfa: {  	vm14 =	vgt.f32 v5, v7;
	v6 =	vsel vm12, v6, v19  }
0xfb: {  	v21 =	vimm.s32 $0x0;
	vm14 =	vmneg vm14;
	vm15 =	vgt.f32 v5, v6  }
0xfc: {  	v22 =	vor.u32 $0xB, v4;
	v11 =	vsel vm0, $0xFFFFFFFF, v21;
	vm0 =	vmand vm14, vm15  }
0xfd: {  	v10 =	vld.idx.msk [tilespmem:v20+s2+$0x0], $0xffff;
	v6 =	vsel vm0, v5, v6;
	v5 =	vsel vm14, v7, v5  }
0xfe: {  	v6 =	vsel vm14, v6, v7;
	vm4 =	vgt.f32 v8, v5  }
0xff: {  	v23 =	vimm.s32 $0x0;
	vm15 =	vmneg vm4;
	vm5 =	vgt.f32 v8, v6  }
0x100: {  	v24 =	vor.u32 $0xC, v4;
	[tilespmem:$0x1FEA0] =	vst v11;
	v11 =	vsel vm0, $0xFFFFFFFF, v23;
	vm0 =	vmand vm15, vm5  }
0x101: {  	[tilespmem:$0x1FE90] =	vst v9;
	v9 =	vld.idx.msk [tilespmem:v22+s2+$0x0], $0xffff;
	v26 =	vsel vm15, v5, v8;
	v6 =	vsel vm0, v8, v6  }
0x102: {  	vm6 =	vgt.f32 v10, v26;
	v5 =	vsel vm15, v6, v5  }
0x103: {  	v25 =	vimm.s32 $0x0;
	vm6 =	vmneg vm6;
	vm4 =	vgt.f32 v10, v5  }
0x104: {  	v27 =	vor.u32 $0xD, v4;
	[tilespmem:$0x1FEB0] =	vst v11;
	v11 =	vsel vm0, $0xFFFFFFFF, v25;
	vm0 =	vmand vm6, vm4  }
0x105: {  	v7 =	vld.idx.msk [tilespmem:v24+s2+$0x0], $0xffff;
	v29 =	vsel vm6, v26, v10;
	v5 =	vsel vm0, v10, v5  }
0x106: {  	vm5 =	vgt.f32 v9, v29;
	v5 =	vsel vm6, v5, v26  }
0x107: {  	v28 =	vimm.s32 $0x0;
	vm5 =	vmneg vm5;
	vm4 =	vgt.f32 v9, v5  }
0x108: {  	v30 =	vor.u32 $0xE, v4;
	v8 =	vsel vm0, $0xFFFFFFFF, v28;
	vm0 =	vmand vm5, vm4  }
0x109: {  	v6 =	vld.idx.msk [tilespmem:v27+s2+$0x0], $0xffff;
	v5 =	vsel vm0, v9, v5;
	v9 =	vsel vm5, v29, v9  }
0x10a: {  	v31 =	vimm.s32 $0x0;
	v5 =	vsel vm5, v5, v29;
	vm4 =	vgt.f32 v7, v9  }
0x10b: {  	[tilespmem:$0x1FEC0] =	vst v11;
	v11 =	vsel vm0, $0xFFFFFFFF, v31;
	vm4 =	vmneg vm4;
	vm0 =	vgt.f32 v7, v5  }
0x10c: {  	v32 =	vor.u32 $0xF, v4;
	vm0 =	vmand vm4, vm0  }
0x10d: {  	v33 =	vimm.s32 $0x0;
	v10 =	vld.idx.msk [tilespmem:v30+s2+$0x0], $0xffff;
	v34 =	vsel vm4, v9, v7;
	v5 =	vsel vm0, v7, v5  }
0x10e: {  	[tilespmem:$0x1FEE0] =	vst v11;
	v11 =	vsel vm0, $0xFFFFFFFF, v33;
	vm0 =	vgt.f32 v6, v34;
	v5 =	vsel vm4, v5, v9  }
0x10f: {  	vm3 =	vmneg vm0;
	vm0 =	vgt.f32 v6, v5  }
0x110: {  	v41 =	vld [tilespmem:$0x1FE50];
	vm0 =	vmand vm3, vm0  }
0x111: {  	v35 =	vimm.s32 $0x0;
	v36 =	vld.idx.msk [tilespmem:v32+s2+$0x0], $0xffff;
	v37 =	vsel vm3, v34, v6;
	v5 =	vsel vm0, v6, v5  }
0x112: {  	v7 =	vsel vm0, $0xFFFFFFFF, v35;
	vm0 =	vgt.f32 v10, v37;
	v5 =	vsel vm3, v5, v34  }
0x113: {  	v38 =	vsel vm1, $0x1, v2;
	v42 =	vld [tilespmem:$0x1FE60];
	vm2 =	vmneg vm0;
	vm0 =	vgt.f32 v10, v5  }
0x114: {  	v39 =	vimm.s32 $0x0;
	v6 =	vsel vm13, $0x2, v38;
	vm0 =	vmand vm2, vm0  }
0x115: {  	v44 =	vld [tilespmem:$0x1FE70];
	vm13 =	vnez.u8 v41;
	v40 =	vsel vm2, v37, v10;
	v9 =	vsel vm0, $0xFFFFFFFF, v39  }
0x116: {  	v5 =	vsel vm0, v10, v5;
	v10 =	vsel vm13, $0x1, v2;
	vm13 =	vgt.f32 v36, v40  }
0x117: {  	v46 =	vld [tilespmem:$0x1FE80];
	v5 =	vsel vm2, v5, v37;
	v6 =	vsel vm11, v6, v10;
	vm1 =	vmneg vm13  }
0x118: {  	vm13 =	vnez.u8 v42;
	v43 =	vnsel vm11, $0x2, v10;
	vm0 =	vgt.f32 v36, v5  }
0x119: {  	v47 =	vld [tilespmem:$0x1FE90];
	[tilespmem:$0x1FED0] =	vst v8;
	v6 =	vsel vm13, $0x3, v6;
	v8 =	vnsel vm10, $0x3, v43;
	vm0 =	vmand vm1, vm0  }
0x11a: {  	vm13 =	vnez.u8 v44;
	v6 =	vsel vm10, v6, v43;
	v5 =	vsel vm0, v36, v5  }
0x11b: {  	v49 =	vld [tilespmem:$0x1FEA0];
	[tilespmem:$0x1FF00] =	vst v7;
	v7 =	vsel vm1, v40, v36;
	v6 =	vsel vm13, $0x4, v6;
	v5 =	vsel vm1, v5, v40  }
0x11c: {  	vm13 =	vnez.u8 v46;
	v6 =	vsel vm8, v6, v8;
	v5 =	vsub.f32 v5, v7  }
0x11d: {  	v50 =	vld [tilespmem:$0x1FEB0];
	v45 =	vnsel vm8, $0x4, v8;
	v6 =	vsel vm13, $0x5, v6  }
0x11e: {  	vm10 =	vnez.u8 v47;
	v6 =	vsel vm7, v6, v45;
	v5 =	vmul.f32 $1.442695020e+00, v5  }
0x11f: {  	v51 =	vld [tilespmem:$0x1FEC0];
	v7 =	vnsel vm7, $0x5, v45;
	v6 =	vsel vm10, $0x6, v6  }
0x120: {  	vm11 =	vnez.u8 v49;
	(erf) = vpow2.f32 v5;
	v5 =	vsel vm9, v6, v7  }
0x121: {  	v52 =	vld [tilespmem:$0x1FED0];
	v48 =	vnsel vm9, $0x6, v7;
	v5 =	vsel vm11, $0x7, v5  }
0x122: {  	vm13 =	vnez.u8 v50;
	v5 =	vsel vm12, v5, v48  }
0x123: {  	v53 =	vld [tilespmem:$0x1FEE0];
	v6 =	vnsel vm12, $0x7, v48;
	v5 =	vsel vm13, $0x8, v5  }
0x124: {  	[tilespmem:$0x1FEF0] =	vst v11;
	vm9 =	vnez.u8 v51;
	v5 =	vsel vm14, v5, v6  }
0x125: {  	s13 =	sadd.s32 $0x800, s13;
	v56 =	vld [tilespmem:$0x1FEF0];
	v6 =	vnsel vm14, $0x8, v6;
	v5 =	vsel vm9, $0x9, v5  }
0x126: {  	[tilespmem:s13+$0xFFFFFD80] =	vst v0;
	vm10 =	vnez.u8 v52;
	v5 =	vsel vm15, v5, v6  }
0x127: {  	[tilespmem:s13+$0xFFFFFF00] =	vst v0;
	v57 =	vld [tilespmem:$0x1FF00];
	v6 =	vnsel vm15, $0x9, v6;
	v5 =	vsel vm10, $0xA, v5  }
0x128: {  	[tilespmem:$0x1FF10] =	vst v9;
	vm11 =	vnez.u8 v53;
	v5 =	vsel vm6, v5, v6  }
0x129: {  	[tilespmem:s13+$0xFFFFFF80] =	vst v0;
	v58 =	vld [tilespmem:$0x1FF10];
	v6 =	vnsel vm6, $0xA, v6;
	v5 =	vsel vm11, $0xB, v5;
	v54 =	vpop (erf)  }
0x12a: {  	[tilespmem:s13+$0x0] =	vst v0;
	vm12 =	vnez.u8 v56;
	v5 =	vsel vm5, v5, v6;
	v55 =	vadd.f32 $1.000000000e+00, v54  }
0x12b: {  	[tilespmem:s13+$0x100] =	vst v0;
	v6 =	vnsel vm5, $0xB, v6;
	v5 =	vsel vm12, $0xC, v5  }
0x12c: {  	[tilespmem:s13+$0x80] =	vst v0;
	vm13 =	vnez.u8 v57;
	v5 =	vsel vm4, v5, v6;
	(erf) = vrcp.f32 v55  }
0x12d: {  	[tilespmem:s13+$0x180] =	vst v0;
	v6 =	vnsel vm4, $0xC, v6;
	v5 =	vsel vm13, $0xD, v5  }
0x12e: {  	[tilespmem:s13+$0xFFFFFE00] =	vst v0;
	vm14 =	vnez.u8 v58;
	v5 =	vsel vm3, v5, v6  }
0x12f: {  	[tilespmem:s13+$0x200] =	vst v0;
	v6 =	vnsel vm3, $0xD, v6;
	v5 =	vsel vm14, $0xE, v5  }
0x130: {  	[tilespmem:s13+$0x280] =	vst v0;
	v5 =	vsel vm2, v5, v6;
	v6 =	vnsel vm2, $0xE, v6  }
0x131: {  	[tilespmem:s13+$0x300] =	vst v0;
	v5 =	vsel vm0, $0xF, v5;
	v59 =	vnsel vm1, $0xF, v6  }
0x132: {  	[tilespmem:s13+$0x380] =	vst v0;
	v5 =	vsel vm1, v5, v6;
	v60 =	vor.u32 v4, v59  }
0x133: {  	[tilespmem:s13+$0xFFFFFC00] =	vst v0;
	v4 =	vor.u32 v4, v5  }
0x134: {  	[tilespmem:s13+$0xFFFFFC80] =	vst v0  }
0x135: {  	[tilespmem:s13+$0xFFFFFE80] =	vst v0;
	v61 =	vpop (erf)  }
0x136: {  	[tilespmem:s13+$0xFFFFFD00] =	vst v0;
	v62 =	vor.u32 $0x80, v59;
	v7 =	vmul.f32 v61, v54  }
0x137: {  	v63 =	vor.u32 $0x80, v5;
	[tilespmem:v60+s9+$0x0] =	vst.idx.add.f32.msk $0xffff, v61  }
0x138: {  	[tilespmem:v4+s9+$0x0] =	vst.idx.add.f32.msk $0xffff, v7  }
0x139: {  	[tilespmem:v59+s10+$0x0] =	vst.idx.add.f32.msk $0xffff, v61  }
0x13a: {  	vm15 =	vgt.f32 v7, $0.0e+00;
	[tilespmem:v5+s10+$0x0] =	vst.idx.add.f32.msk $0xffff, v7  }
0x13b: {  	v4 =	vsel vm15, $0x3F800000, v0;
	[tilespmem:v62+s10+$0x0] =	vst.idx.add.f32.msk $0xffff, v3  }
0x13c: {  	[tilespmem:v63+s10+$0x0] =	vst.idx.add.f32.msk $0xffff, v4  }
0x13d: {  	[hbm4b:s4+s2] =	stream.linear.scatter [tilespmem:s9], [sflag:$0x1], $0x4000, $0x38;
	[tilespmem:$0x8100] =	vst v63  }
0x13e: {  	_ =	swait.ge [sflag:s8], $0x4000  }
0x13f: {  	[sflag:s8] =	ssyncset.done $0x0  }
0x140: {  	[sflag:s8] =	ssyncadd.s32 $0xFFFFC000  }
0x141: {  	[hbm4b:s5+s2] =	stream.linear.scatter [tilespmem:s10], [sflag:$0x1], $0x80, $0x38;
	[tilespmem:$0x8100] =	vst v63  }
0x142: {  	s12 =	sadd.s32 $0x1, s12;
	_ =	swait.ge [sflag:s8], $0x80  }
0x143: {  	p0 =	sne.s32 s12, s7;
	[sflag:s8] =	ssyncset.done $0x0  }
.Ltmp1:
0x144: {  	[sflag:s8] =	ssyncadd.s32 $0xFFFFFF80;
	(pc) =	sbr.rel @p0 .LBB2_1-.Ltmp1, $4  }
0x145: {  	[hbm4b:s6+s2] =	stream.linear.scatter [tilespmem:s11], [sflag:$0x1], $0x80, $0x38;
	[tilespmem:$0x8100] =	vst v63  }
0x146: {  	_ =	swait.ge [sflag:s8], $0x80  }
0x147: {  	[sflag:s8] =	ssyncset.done $0x0  }
0x148: {  	[sflag:s8] =	ssyncadd.s32 $0xFFFFFF80  }
0x149: {  	_ =	sfence.sel $0x180000  }
0x14a: {  	[bflag:$0x0] =	sbarrier.arrive $0xFFFF  }
0x14b: {  	p0 =	sne.s32 s1, $0x0;
	_ =	strace $0x90000047  }
0x14c: {  	s0 =	sadd.s32 @!p0 $0x100000, s0;
	[bflag:$0x2] =	sbarrier.arrive $0xFFFF  }
0x14d: {  	[sflag:s0] =	ssyncadd.tile.s32 @!p0 $0x1;
	_ =	shalt  }
.Lfunc_end2:
_tile_overlayer_lowered:
.L_overlay_start_2:
0x14e: {  	(tag) =	ssettag $0x2  }
0x14f: {  	s0 =	rddreg [dreg:$0x0];
	s2 =	stileid.u32  }
0x150: {  	s1 =	rddreg [dreg:$0x1];
	p0 =	sne.s32 s2, $0x0  }
0x151: {  	s3 =	rddreg [dreg:$0x2];
	[bflag:$0x3] =	sbarrier.arrive $0xFFFF;
	s2 =	simm.s32 @!p0 $0x1C01  }
0x152: {  	[timem:s3], [sflag:s2] =	dma.local @!p0 [hbm:s0], s1  }
0x153: {  	s0 =	simm.s32 @!p0 $0x1  }
0x154: {  	_ =	swait.ge @!p0 [sflag:s0], s1  }
0x155: {  	s1 =	ssub.s32 @!p0 $0x0, s1;
	[sflag:s0] =	ssyncset.done @!p0 $0x0  }
0x156: {  	[sflag:s0] =	ssyncadd.s32 @!p0 s1  }
0x157: {  	[bflag:$0x3] =	sbarrier.arrive $0xFFFF  }
0x158: {  	_ =	shalt  }

// kernel: kernel.7.cloned.1.call-start
scs
__scs_entry_jumppad:
0x0: {  	(pc) =	sbr.rel $0x88, $3  }
0x1: {  	(tag) =	ssettag $0x0;
	lr =	simm.s32 $0x1  }
0x2: {  	[smem:$0x3F9F] =	sst lr;
	_ =	strace $0xD0000000  }
0x3: {  	_ = 	snop  }
0x4: {  	_ = 	snop  }
0x5: {  	_ = 	snop  }
0x6: {  	_ = 	snop  }
0x7: {  	_ = 	snop  }
__scs_overlays_trampoline_lowered:
0x8: {  	[smem:$0x3FAE] =	sst s0  }
0x9: {  	[smem:$0x3FAF] =	sst s1  }
0xa: {  	[smem:$0x3FB0] =	sst s2  }
0xb: {  	[smem:$0x3FB1] =	sst s3  }
0xc: {  	[smem:$0x3FB2] =	sst s4  }
0xd: {  	[smem:$0x3FB3] =	sst s5  }
0xe: {  	[smem:$0x3FB4] =	sst s6  }
0xf: {  	[smem:$0x3FB5] =	sst s7  }
0x10: {  	[smem:$0x3FB6] =	sst s8  }
0x11: {  	[smem:$0x3FB7] =	sst s9;
	s0 =	simm.s32 @!p0 $0x0  }
0x12: {  	s1 =	sld [smem:$0x3F9D];
	s0 =	simm.s32 @p0 $0x1  }
0x13: {  	[smem:$0x3FB8] =	sst s0;
	s0 =	simm.s32 @!p1 $0x0  }
0x14: {  	s2 =	sld [smem:$0x3F9C];
	s0 =	simm.s32 @p1 $0x1  }
0x15: {  	[smem:$0x3FB9] =	sst s0;
	s0 =	simm.s32 @!p2 $0x0  }
0x16: {  	s3 =	sld [smem:$0x3FDB];
	s0 =	simm.s32 @p2 $0x1  }
0x17: {  	s4 =	simm.s32 $0x1BF5;
	[smem:$0x3FBB] =	sst s0  }
0x18: {  	s0 =	sld [smem:$0x3F9E];
	_ =	swait.ge [sflag:s4], $0x0  }
0x19: {  	s7 =	sld [smem:$0x3F9F]  }
0x1a: {  	s8 =	sadd.s32 $0xFFFFE003, lr  }
0x1b: {  	s9 =	sadd.s32 $0xFFFFFEF7, lr;
	s5 =	simm.s32 $0xFFFFFFFF;
	p2 =	slt.u32 s8, $0xFFFFF086  }
0x1c: {  	p1 =	slt.u32 s9, $0xF7A;
	s5 =	simm.s32 @!p2 $0x0  }
0x1d: {  	s5 =	simm.s32 @p1 $0x1;
	p0 =	seq.s32 s7, s2  }
0x1e: {  	s7 =	smul.u32 @!p0 $0xF7A, s2;
	p2 =	seq.s32 @!p0 s5, $0x0  }
0x1f: {  	s9 =	smul.u32 $0xF7A, s1;
	s8 =	simm.s32 @!p0 $0x1BF5;
	p2 =	por !p2, p0  }
0x20: {  	[sflag:s8] =	ssyncset.s32 @!p0 $0xFFFFF086;
	s6 =	sadd.s32 @!p0 s3, s7;
	s7 =	simm.s32 @!p0 $0x108  }
0x21: {  	s3 =	sadd.s32 s3, s9;
	s6 =	sadd.s32 @!p0 $0x88, s6;
	s7 =	simm.s32 @p2 $0x1082  }
0x22: {  	[simem:s7], [sflag:s8] =	dma.local @!p0 [hbm:s6], $0xF7A  }
0x23: {  	s9 =	sor.u32 $0xD0000000, s2;
	s6 =	simm.s32 $0x108;
	_ =	swait.ge @!p0 [sflag:s8], $0x0  }
0x24: {  	s3 =	sadd.s32 $0x88, s3;
	s6 =	simm.s32 @!p1 $0x1082;
	[sflag:s4] =	ssyncset.s32 $0xFFFFF086  }
0x25: {  	[simem:s6], [sflag:s4] =	dma.local [hbm:s3], $0xF7A  }
0x26: {  	[smem:$0x3F9F] =	sst s1;
	(tag) =	ssettag s2;
	_ =	strace s9  }
0x27: {  	s1 =	sld [smem:$0x3FAF]  }
0x28: {  	s2 =	sld [smem:$0x3FB0]  }
0x29: {  	s4 =	sld [smem:$0x3FB2]  }
0x2a: {  	p0 =	seq.s32 s5, $0x0;
	s5 =	sld [smem:$0x3FB3]  }
0x2b: {  	s6 =	sld [smem:$0x3FB4]  }
0x2c: {  	s7 =	sld [smem:$0x3FB5]  }
0x2d: {  	s3 =	simm.s32 $0x108;
	s8 =	sld [smem:$0x3FB6]  }
0x2e: {  	s3 =	simm.s32 @!p0 $0x1082;
	s9 =	sld [smem:$0x3FB7]  }
0x2f: {  	lr =	sadd.s32 s0, s3;
	s0 =	sld [smem:$0x3FAE]  }
0x30: {  	s3 =	sld [smem:$0x3FB1]  }
0x31: {  	[smem:$0x3FBA] =	sst s10  }
0x32: {  	s10 =	sld [smem:$0x3FB8];
	_ =	sdelay $0x3  }
0x33: {  	p0 =	seq.s32 s10, $0x1;
	s10 =	sld [smem:$0x3FBA];
	_ =	sdelay $0x3  }
0x34: {  	[smem:$0x3FBA] =	sst s10  }
0x35: {  	s10 =	sld [smem:$0x3FB9];
	_ =	sdelay $0x3  }
0x36: {  	p1 =	seq.s32 s10, $0x1;
	s10 =	sld [smem:$0x3FBA];
	_ =	sdelay $0x3  }
0x37: {  	[smem:$0x3FBA] =	sst s10  }
0x38: {  	s10 =	sld [smem:$0x3FBB]  }
0x39: {  	_ = 	snop;
	(pc) =	sbr.ind lr, $3  }
0x3a: {  	_ = 	snop  }
0x3b: {  	_ = 	snop  }
0x3c: {  	p2 =	seq.s32 s10, $0x1;
	s10 =	sld [smem:$0x3FBA]  }
0x3d: {  	_ =	shalt  }
0x3e: {  	_ =	shalt  }
0x3f: {  	_ =	shalt  }
0x40: {  	_ =	shalt  }
0x41: {  	_ =	shalt  }
0x42: {  	_ =	shalt  }
0x43: {  	_ =	shalt  }
0x44: {  	_ =	shalt  }
0x45: {  	_ =	shalt  }
0x46: {  	_ =	shalt  }
0x47: {  	_ =	shalt  }
0x48: {  	_ =	shalt  }
0x49: {  	_ =	shalt  }
0x4a: {  	_ =	shalt  }
0x4b: {  	_ =	shalt  }
0x4c: {  	_ =	shalt  }
0x4d: {  	_ =	shalt  }
0x4e: {  	_ =	shalt  }
0x4f: {  	_ =	shalt  }
0x50: {  	_ =	shalt  }
0x51: {  	_ =	shalt  }
0x52: {  	_ =	shalt  }
0x53: {  	_ =	shalt  }
0x54: {  	_ =	shalt  }
0x55: {  	_ =	shalt  }
0x56: {  	_ =	shalt  }
0x57: {  	_ =	shalt  }
0x58: {  	_ =	shalt  }
0x59: {  	_ =	shalt  }
0x5a: {  	_ =	shalt  }
0x5b: {  	_ =	shalt  }
0x5c: {  	_ =	shalt  }
0x5d: {  	_ =	shalt  }
0x5e: {  	_ =	shalt  }
0x5f: {  	_ =	shalt  }
0x60: {  	_ =	shalt  }
0x61: {  	_ =	shalt  }
0x62: {  	_ =	shalt  }
0x63: {  	_ =	shalt  }
0x64: {  	_ =	shalt  }
0x65: {  	_ =	shalt  }
0x66: {  	_ =	shalt  }
0x67: {  	_ =	shalt  }
0x68: {  	_ =	shalt  }
0x69: {  	_ =	shalt  }
0x6a: {  	_ =	shalt  }
0x6b: {  	_ =	shalt  }
0x6c: {  	_ =	shalt  }
0x6d: {  	_ =	shalt  }
0x6e: {  	_ =	shalt  }
0x6f: {  	_ =	shalt  }
0x70: {  	_ =	shalt  }
0x71: {  	_ =	shalt  }
0x72: {  	_ =	shalt  }
0x73: {  	_ =	shalt  }
0x74: {  	_ =	shalt  }
0x75: {  	_ =	shalt  }
0x76: {  	_ =	shalt  }
0x77: {  	_ =	shalt  }
0x78: {  	_ =	shalt  }
0x79: {  	_ =	shalt  }
0x7a: {  	_ =	shalt  }
0x7b: {  	_ =	shalt  }
0x7c: {  	_ =	shalt  }
0x7d: {  	_ =	shalt  }
0x7e: {  	_ =	shalt  }
0x7f: {  	_ =	shalt  }
0x80: {  	_ =	shalt  }
0x81: {  	_ =	shalt  }
0x82: {  	_ =	shalt  }
0x83: {  	_ =	shalt  }
0x84: {  	_ =	shalt  }
0x85: {  	_ =	shalt  }
0x86: {  	_ =	shalt  }
0x87: {  	_ =	shalt  }
.Lfunc_end0:
.L_simem_size_0:
called_computation_lowered:
.L_overlay_start_0:
0x88: {  	s2 =	sld [smem:$0x3FD9]  }
0x89: {  	s3 =	sld [smem:$0x3FFE];
	_ =	sdelay $0x1  }
0x8a: {  	s1 =	srdreg.scid  }
0x8b: {  	s0 =	sand.u32 $0x1, s1  }
0x8c: {  	s15 =	sshll.u32 s0, $0xA;
	s2 =	sadd.s32 s3, s2  }
0x8d: {  	s2 =	sadd.s32 s2, s15  }
0x8e: {  	[smem:$0x3FC6] =	sst s2  }
0x8f: {  	_ = 	snop  }
0x90: {  	s2 =	sld [smem:$0x3FD0];
	_ =	sdelay $0x2  }
0x91: {  	s16 =	simm.s32 $0xB;
	s4 =	simm.s32 $0x10  }
0x92: {  	[smem:s4], [sflag:s16] =	dma.local [hbm:s2], $0x1  }
0x93: {  	_ =	swait.eq [sflag:s16], $0x1  }
0x94: {  	[sflag:s16] =	ssyncset.done $0x0  }
0x95: {  	[sflag:s16] =	ssyncadd.s32 $0xFFFFFFFF  }
0x96: {  	s17 =	sld [smem:$0x10];
	(tm) =	ssettm $0x1  }
0x97: {  	s18 =	sld [smem:$0x3FFB];
	_ =	sdelay $0x3  }
0x98: {  	_ =	strace s18  }
0x99: {  	s2 =	sld [smem:$0x3FFC];
	_ =	sdelay $0x3  }
0x9a: {  	_ =	strace s2  }
0x9b: {  	s2 =	sld [smem:$0x3FFD];
	_ =	sdelay $0x3  }
0x9c: {  	_ =	strace s2  }
0x9d: {  	_ =	strace $0x8FFFFFFF  }
0x9e: {  	s19 =	sld [smem:$0x3FDB];
	_ =	sdelay $0x1  }
0x9f: {  	s20 =	simm.s32 $_scs_section_size  }
0xa0: {  	s5 =	simm.s32 $_size__tile_overlayer_lowered;
	s6 =	simm.s32 $_tile_overlayer_lowered  }
0xa1: {  	s7 =	simm.s32 $0x1BFF;
	s21 =	sshll.u32 s6, $0x1;
	s4 =	sadd.s32 s20, s19  }
0xa2: {  	s22 =	simm.s32 $0x0;
	s5 =	sshll.u32 s5, $0x1;
	s6 =	sadd.s32 s21, s4  }
0xa3: {  	[timem:s22], [sflag:s7] =	dma.local [hbm:s6], s5  }
0xa4: {  	_ =	swait.ge [sflag:s7], s5  }
0xa5: {  	s5 =	ssub.s32 $0x0, s5;
	[sflag:s7] =	ssyncset.done $0x0  }
0xa6: {  	[sflag:s7] =	ssyncadd.s32 s5;
	_ =	sdelay $0x1  }
0xa7: {  	s23 =	simm.s32 $0x1B8B  }
0xa8: {  	_ =	swait.ge [sflag:s23], $0x1  }
0xa9: {  	[sflag:s23] =	ssyncset.done $0x0  }
0xaa: {  	[sflag:s23] =	ssyncadd.s32 $0xFFFFFFFF  }
0xab: {  	s5 =	sld [smem:$0x0]  }
0xac: {  	s6 =	sand.u32 $0xFFFFFFFE, s1  }
0xad: {  	p0 =	sne.s32 s1, s6  }
0xae: {  	s6 =	sshll.u32 @p0 s6, $0xE  }
0xaf: {  	s6 =	sadd.s32 @p0 $0x11B8D, s6;
	s7 =	sshll.u32 @p0 s5, $0x11  }
0xb0: {  	s6 =	sor.u32 @p0 s7, s6  }
0xb1: {  	[sflag:s6] =	ssyncadd.remote.s32 @p0 $0x1;
	_ =	sdelay $0x1  }
0xb2: {  	s6 =	simm.s32 @p0 $0x1B8D  }
0xb3: {  	_ =	swait.eq @p0 [sflag:s6], $0x1  }
0xb4: {  	[sflag:s6] =	ssyncadd.s32 @p0 $0xFFFFFFFF  }
0xb5: {  	s7 =	sshll.u32 @!p0 s1, $0xE  }
0xb6: {  	s7 =	sor.u32 @!p0 $0x4000, s7;
	s6 =	simm.s32 @!p0 $0x1B8D  }
0xb7: {  	s5 =	sshll.u32 @!p0 s5, $0x11;
	s7 =	sadd.s32 @!p0 $0x11B8D, s7;
	_ =	swait.eq @!p0 [sflag:s6], $0x1  }
0xb8: {  	s5 =	sor.u32 @!p0 s5, s7;
	[sflag:s6] =	ssyncadd.s32 @!p0 $0xFFFFFFFF  }
0xb9: {  	s25 =	simm.s32 $0x1B8E;
	s24 =	sld [smem:$0x3FFE];
	[sflag:s5] =	ssyncadd.remote.s32 @!p0 $0x1  }
0xba: {  	s26 =	simm.s32 $execute0_lowered;
	[smem:$0x3FD2] =	sst s25  }
0xbb: {  	s6 =	sshll.u32 s26, $0x1;
	_ =	strace $0x80000049;
	[dreg:$0x1] =	wrdreg $0xFFFFFFFF  }
0xbc: {  	s28 =	simm.s32 $_size_execute0_lowered;
	s4 =	sadd.s32 s4, s6;
	[dreg:$0x0] =	wrdreg $0x0  }
0xbd: {  	s6 =	sshll.u32 s28, $0x1;
	[dreg:$0x2] =	wrdreg s4  }
0xbe: {  	[dreg:$0x3] =	wrdreg s6  }
0xbf: {  	[dreg:$0x4] =	wrdreg $0xC0  }
0xc0: {  	_ =	task [dreg:s22], $0x5FFFF  }
0xc1: {  	[dreg:$0x1] =	wrdreg $0xFFFFFFFF  }
0xc2: {  	[dreg:$0x0] =	wrdreg $0x60  }
0xc3: {  	[dreg:$0x2] =	wrdreg s24  }
0xc4: {  	[dreg:$0x3] =	wrdreg s17  }
0xc5: {  	[dreg:$0x4] =	wrdreg $0x9  }
0xc6: {  	_ =	task.clear_ibuf [dreg:s22], $0x5FFFF;
	_ =	strace $0x90000049  }
0xc7: {  	s29 =	simm.s32 $0x9;
	_ =	strace $0x8000004B  }
0xc8: {  	_ =	swait.ge [sflag:s29], $0x1  }
0xc9: {  	[sflag:s29] =	ssyncadd.s32 $0xFFFFFFFF  }
0xca: {  	_ =	strace $0x9000004B  }
0xcb: {  	_ =	sfence  }
0xcc: {  	s30 =	sld [smem:$0x0];
	_ =	sdelay $0x2  }
0xcd: {  	s31 =	sshll.u32 s1, $0xD;
	s1 =	sshrl.u32 s1, $0x2  }
0xce: {  	s4 =	sand.u32 $0x4000, s31;
	s1 =	sadd.s32 s1, s30  }
0xcf: {  	s0 =	sor.u32 s4, s0;
	s1 =	sshll.u32 s1, $0x11  }
0xd0: {  	s0 =	sor.u32 s1, s0  }
0xd1: {  	s0 =	sadd.s32 $0x8F2B, s0  }
0xd2: {  	[sflag:s0] =	ssyncadd.remote.s32 $0x1  }
0xd3: {  	_ =	sfence.sel $0xFFFF  }
0xd4: {  	[dreg:$0x0] =	wrdreg $0xFFFFFFFF;
	(pc) =	sbr.abs _section_cstart, $3  }
0xd5: {  	[dreg:$0x1] =	wrdreg $0xFFFFFFFF  }
0xd6: {  	_ =	task.clear_ibuf [dreg:s22], $0x2FFFF;
	_ =	strace $0x9FFFFFFF  }
0xd7: {  	(tm) =	ssettm $0x7FFFFFFF  }
tec
execute0_lowered:
.L_overlay_start_1:
0x0: {  	(tag) =	ssettag $0x1  }
0x1: {  	s3 =	rddreg [dreg:$0x0]  }
0x2: {  	s4 =	rddreg [dreg:$0x1]  }
0x3: {  	s0 =	rddreg [dreg:$0x2]  }
0x4: {  	s2 =	simm.s32 $0x0;
	s5 =	srdreg.scid;
	s1 =	stileid.u32  }
0x5: {  	s9 =	simm.s32 $0x4000;
	s10 =	simm.s32 $0x8000;
	s11 =	simm.s32 $0x8080  }
0x6: {  	s12 =	simm.s32 $0x0;
	s5 =	sand.u32 $0x1, s5;
	s6 =	sshll.u32 s1, $0x1  }
0x7: {  	[smem:$0x7FF] =	sst s2;
	s6 =	sor.u32 s5, s6;
	s5 =	ssub.s32 $0x2, s5  }
0x8: {  	_ =	strace $0x8000004A;
	s7 =	sshll.u32 s6, $0xB;
	s8 =	sshrl.u32 s5, $0x1  }
0x9: {  	s6 =	sshll.u32 s6, $0x4;
	s7 =	sadd.s32 s7, s3;
	s8 =	ssub.s32 s5, s8  }
0xa: {  	v0 =	vimm.f32 $0.0e+00;
	v1 =	vlaneseq.u32;
	s3 =	sadd.s32 s4, s6;
	s4 =	sadd.s32 $0x1800, s7;
	s5 =	sadd.s32 $0x11800, s7  }
0xb: {  	v2 =	vimm.s32 $0x0;
	v3 =	vimm.f32 $1.000000000e+00;
	v1 =	vmul.u32 $0x80, v1;
	s6 =	sadd.s32 $0x200, s3;
	s7 =	smax.u32 s8, $0x1;
	s8 =	simm.s32 $0x1  }
.LBB2_1:
0xc: {  	v4 =	vmov s2  }
0xd: {  	[tilespmem:s2], [sflag:$0x1] =	stream.linear.gather [hbm4b:s4+s2], $0x4000, $0x38;
	v4 =	vshll.u32 v4, $0x7;
	[tilespmem:$0x8100] =	vst v63  }
0xe: {  	_ =	swait.ge [sflag:s8], $0x4000;
	v4 =	vor.u32 v1, v4  }
0xf: {  	[sflag:s8] =	ssyncset.done $0x0;
	v5 =	vor.u32 $0x1, v4  }
0x10: {  	[sflag:s8] =	ssyncadd.s32 $0xFFFFC000  }
0x11: {  	[tilespmem:$0x8000] =	vst v0  }
0x12: {  	[tilespmem:$0x8080] =	vst v0  }
0x13: {  	v6 =	vor.u32 $0x2, v4;
	v7 =	vld.idx.msk [tilespmem:v4+s2+$0x0], $0xffff  }
0x14: {  	v5 =	vld.idx.msk [tilespmem:v5+s2+$0x0], $0xffff;
	_ =	sdelay $0x3  }
0x15: {  	v9 =	vimm.s32 $0x0;
	v8 =	vor.u32 $0x3, v4;
	v6 =	vld.idx.msk [tilespmem:v6+s2+$0x0], $0xffff  }
0x16: {  	vm2 =	vgt.f32 v5, v7;
	vm0 =	vlt.f32 v5, $-Inf;
	vm1 =	vgt.f32 v5, $-Inf  }
0x17: {  	v9 =	vsel vm2, $0xFFFFFFFF, v9;
	vm2 =	vmneg vm2;
	vm0 =	vmor vm1, vm0  }
0x18: {  	vm1 =	vmand vm2, vm0  }
0x19: {  	v10 =	vsel vm2, v7, v5;
	v5 =	vnsel vm1, $0xFF800000, v5  }
0x1a: {  	v8 =	vld.idx.msk [tilespmem:v8+s2+$0x0], $0xffff;
	[tilespmem:$0x1FF30] =	vst v9;
	v9 =	vor.u32 $0x4, v4;
	vm11 =	vgt.f32 v6, v10;
	v5 =	vsel vm2, v5, v7  }
0x1b: {  	vm11 =	vmneg vm11;
	vm12 =	vgt.f32 v6, v5  }
0x1c: {  	v11 =	vimm.s32 $0x0;
	vm0 =	vmand vm11, vm12  }
0x1d: {  	v11 =	vsel vm0, $0xFFFFFFFF, v11  }
0x1e: {  	v5 =	vsel vm0, v6, v5;
	[tilespmem:$0x1FF20] =	vst v11;
	v11 =	vsel vm11, v10, v6  }
0x1f: {  	v7 =	vor.u32 $0x5, v4;
	v9 =	vld.idx.msk [tilespmem:v9+s2+$0x0], $0xffff;
	v5 =	vsel vm11, v5, v10;
	vm13 =	vgt.f32 v8, v11  }
0x20: {  	vm14 =	vgt.f32 v8, v5;
	vm10 =	vmneg vm13  }
0x21: {  	v10 =	vimm.s32 $0x0;
	vm0 =	vmand vm10, vm14  }
0x22: {  	v10 =	vsel vm0, $0xFFFFFFFF, v10  }
0x23: {  	v5 =	vsel vm0, v8, v5;
	[tilespmem:$0x1FF40] =	vst v10;
	v10 =	vsel vm10, v11, v8  }
0x24: {  	v6 =	vor.u32 $0x6, v4;
	v7 =	vld.idx.msk [tilespmem:v7+s2+$0x0], $0xffff;
	v5 =	vsel vm10, v5, v11;
	vm15 =	vgt.f32 v9, v10  }
0x25: {  	vm4 =	vgt.f32 v9, v5;
	vm8 =	vmneg vm15  }
0x26: {  	v11 =	vimm.s32 $0x0;
	vm0 =	vmand vm8, vm4  }
0x27: {  	v11 =	vsel vm0, $0xFFFFFFFF, v11  }
0x28: {  	v5 =	vsel vm0, v9, v5;
	[tilespmem:$0x1FF50] =	vst v11;
	v11 =	vsel vm8, v10, v9  }
0x29: {  	v8 =	vor.u32 $0x7, v4;
	v6 =	vld.idx.msk [tilespmem:v6+s2+$0x0], $0xffff;
	v5 =	vsel vm8, v5, v10;
	vm5 =	vgt.f32 v7, v11  }
0x2a: {  	vm6 =	vgt.f32 v7, v5;
	vm7 =	vmneg vm5  }
0x2b: {  	v10 =	vimm.s32 $0x0;
	vm0 =	vmand vm7, vm6  }
0x2c: {  	v10 =	vsel vm0, $0xFFFFFFFF, v10  }
0x2d: {  	v9 =	vor.u32 $0x8, v4;
	v5 =	vsel vm0, v7, v5;
	[tilespmem:$0x1FF60] =	vst v10;
	v10 =	vsel vm7, v11, v7  }
0x2e: {  	v8 =	vld.idx.msk [tilespmem:v8+s2+$0x0], $0xffff;
	v5 =	vsel vm7, v5, v11;
	vm9 =	vgt.f32 v6, v10  }
0x2f: {  	vm12 =	vgt.f32 v6, v5;
	vm9 =	vmneg vm9  }
0x30: {  	v11 =	vimm.s32 $0x0;
	vm0 =	vmand vm9, vm12  }
0x31: {  	v7 =	vor.u32 $0x9, v4;
	v11 =	vsel vm0, $0xFFFFFFFF, v11  }
0x32: {  	v9 =	vld.idx.msk [tilespmem:v9+s2+$0x0], $0xffff;
	v5 =	vsel vm0, v6, v5;
	[tilespmem:$0x1FF70] =	vst v11;
	v11 =	vsel vm9, v10, v6  }
0x33: {  	v5 =	vsel vm9, v5, v10;
	vm13 =	vgt.f32 v8, v11  }
0x34: {  	vm14 =	vgt.f32 v8, v5;
	vm12 =	vmneg vm13  }
0x35: {  	vm0 =	vmand vm12, vm14  }
0x36: {  	v6 =	vor.u32 $0xA, v4;
	v7 =	vld.idx.msk [tilespmem:v7+s2+$0x0], $0xffff;
	v5 =	vsel vm0, v8, v5;
	v8 =	vsel vm12, v11, v8  }
0x37: {  	v5 =	vsel vm12, v5, v11;
	vm15 =	vgt.f32 v9, v8  }
0x38: {  	v10 =	vimm.s32 $0x0;
	vm14 =	vmneg vm15;
	vm4 =	vgt.f32 v9, v5  }
0x39: {  	v10 =	vsel vm0, $0xFFFFFFFF, v10;
	vm0 =	vmand vm14, vm4  }
0x3a: {  	[tilespmem:$0x1FF80] =	vst v10;
	v10 =	vor.u32 $0xB, v4;
	v5 =	vsel vm0, v9, v5;
	v9 =	vsel vm14, v8, v9  }
0x3b: {  	v11 =	vimm.s32 $0x0;
	v6 =	vld.idx.msk [tilespmem:v6+s2+$0x0], $0xffff;
	v5 =	vsel vm14, v5, v8;
	vm5 =	vgt.f32 v7, v9  }
0x3c: {  	v11 =	vsel vm0, $0xFFFFFFFF, v11;
	vm15 =	vmneg vm5;
	vm6 =	vgt.f32 v7, v5  }
0x3d: {  	[tilespmem:$0x1FF90] =	vst v11;
	v11 =	vimm.s32 $0x0;
	vm0 =	vmand vm15, vm6  }
0x3e: {  	v11 =	vsel vm0, $0xFFFFFFFF, v11  }
0x3f: {  	v8 =	vor.u32 $0xC, v4;
	v5 =	vsel vm0, v7, v5;
	[tilespmem:$0x1FFA0] =	vst v11;
	v11 =	vsel vm15, v9, v7  }
0x40: {  	v10 =	vld.idx.msk [tilespmem:v10+s2+$0x0], $0xffff;
	v5 =	vsel vm15, v5, v9;
	vm13 =	vgt.f32 v6, v11  }
0x41: {  	vm4 =	vgt.f32 v6, v5;
	vm6 =	vmneg vm13  }
0x42: {  	v9 =	vimm.s32 $0x0;
	vm0 =	vmand vm6, vm4  }
0x43: {  	v9 =	vsel vm0, $0xFFFFFFFF, v9  }
0x44: {  	v7 =	vor.u32 $0xD, v4;
	v8 =	vld.idx.msk [tilespmem:v8+s2+$0x0], $0xffff;
	v5 =	vsel vm0, v6, v5;
	[tilespmem:$0x1FFB0] =	vst v9;
	v9 =	vsel vm6, v11, v6  }
0x45: {  	v5 =	vsel vm6, v5, v11;
	vm5 =	vgt.f32 v10, v9  }
0x46: {  	vm13 =	vgt.f32 v10, v5;
	vm5 =	vmneg vm5  }
0x47: {  	vm0 =	vmand vm5, vm13  }
0x48: {  	v6 =	vor.u32 $0xE, v4;
	v5 =	vsel vm0, v10, v5;
	v10 =	vsel vm5, v9, v10  }
0x49: {  	v11 =	vimm.s32 $0x0;
	v7 =	vld.idx.msk [tilespmem:v7+s2+$0x0], $0xffff;
	v5 =	vsel vm5, v5, v9;
	vm4 =	vgt.f32 v8, v10  }
0x4a: {  	v11 =	vsel vm0, $0xFFFFFFFF, v11;
	vm4 =	vmneg vm4;
	vm13 =	vgt.f32 v8, v5  }
0x4b: {  	[tilespmem:$0x1FFC0] =	vst v11;
	v11 =	vimm.s32 $0x0;
	vm0 =	vmand vm4, vm13  }
0x4c: {  	v11 =	vsel vm0, $0xFFFFFFFF, v11  }
0x4d: {  	v9 =	vor.u32 $0xF, v4;
	v5 =	vsel vm0, v8, v5;
	[tilespmem:$0x1FFD0] =	vst v11;
	v11 =	vsel vm4, v10, v8  }
0x4e: {  	v6 =	vld.idx.msk [tilespmem:v6+s2+$0x0], $0xffff;
	v5 =	vsel vm4, v5, v10;
	vm13 =	vgt.f32 v7, v11  }
0x4f: {  	vm3 =	vmneg vm13;
	vm13 =	vgt.f32 v7, v5  }
0x50: {  	v8 =	vimm.s32 $0x0;
	vm0 =	vmand vm3, vm13  }
0x51: {  	v8 =	vsel vm0, $0xFFFFFFFF, v8  }
0x52: {  	v5 =	vsel vm0, v7, v5;
	[tilespmem:$0x1FFE0] =	vst v8;
	v8 =	vld.idx.msk [tilespmem:v9+s2+$0x0], $0xffff;
	v9 =	vsel vm3, v11, v7  }
0x53: {  	v5 =	vsel vm3, v5, v11;
	vm13 =	vgt.f32 v6, v9  }
0x54: {  	vm2 =	vmneg vm13;
	vm13 =	vgt.f32 v6, v5  }
0x55: {  	v10 =	vimm.s32 $0x0;
	v7 =	vsel vm1, $0x1, v2;
	vm1 =	vmand vm2, vm13  }
0x56: {  	v10 =	vsel vm1, $0xFFFFFFFF, v10  }
0x57: {  	[tilespmem:$0x1FFF0] =	vst v10;
	v10 =	vld [tilespmem:$0x1FF20];
	_ =	sdelay $0x4  }
0x58: {  	v5 =	vsel vm1, v6, v5;
	vm13 =	vnez.u8 v10;
	v10 =	vsel vm2, v9, v6;
	v6 =	vld [tilespmem:$0x1FF30];
	_ =	sdelay $0x4  }
0x59: {  	v5 =	vsel vm2, v5, v9;
	v9 =	vld [tilespmem:$0x1FF40];
	v7 =	vsel vm13, $0x2, v7;
	vm13 =	vnez.u8 v6  }
0x5a: {  	v6 =	vsel vm13, $0x1, v2;
	vm13 =	vgt.f32 v8, v10  }
0x5b: {  	vm0 =	vgt.f32 v8, v5;
	vm1 =	vmneg vm13  }
0x5c: {  	vm0 =	vmand vm1, vm0  }
0x5d: {  	v5 =	vsel vm0, v8, v5  }
0x5e: {  	vm13 =	vnez.u8 v9;
	v9 =	vld [tilespmem:$0x1FF50];
	v8 =	vsel vm1, v10, v8;
	v5 =	vsel vm1, v5, v10  }
0x5f: {  	v5 =	vsub.f32 v5, v8;
	v8 =	vld [tilespmem:$0x1FF60];
	_ =	sdelay $0x1  }
0x60: {  	v7 =	vsel vm11, v7, v6  }
0x61: {  	v6 =	vnsel vm11, $0x2, v6;
	v7 =	vsel vm13, $0x3, v7  }
0x62: {  	v7 =	vsel vm10, v7, v6;
	vm13 =	vnez.u8 v9  }
0x63: {  	v7 =	vsel vm13, $0x4, v7;
	vm13 =	vnez.u8 v8;
	v8 =	vld [tilespmem:$0x1FF70];
	_ =	sdelay $0x1  }
0x64: {  	v6 =	vnsel vm10, $0x3, v6  }
0x65: {  	v7 =	vsel vm8, v7, v6  }
0x66: {  	v6 =	vnsel vm8, $0x4, v6;
	v7 =	vsel vm13, $0x5, v7  }
0x67: {  	v5 =	vmul.f32 $1.442695020e+00, v5;
	v7 =	vsel vm7, v7, v6;
	vm10 =	vnez.u8 v8  }
0x68: {  	v6 =	vnsel vm7, $0x5, v6;
	v7 =	vsel vm10, $0x6, v7  }
0x69: {  	(erf) = vpow2.f32 v5;
	v5 =	vsel vm9, v7, v6;
	v7 =	vld [tilespmem:$0x1FF80];
	_ =	sdelay $0x4  }
0x6a: {  	vm11 =	vnez.u8 v7;
	v7 =	vld [tilespmem:$0x1FF90];
	_ =	sdelay $0x4  }
0x6b: {  	vm13 =	vnez.u8 v7;
	v7 =	vld [tilespmem:$0x1FFA0];
	_ =	sdelay $0x4  }
0x6c: {  	v6 =	vnsel vm9, $0x6, v6;
	vm9 =	vnez.u8 v7;
	v7 =	vld [tilespmem:$0x1FFB0];
	_ =	sdelay $0x4  }
0x6d: {  	vm10 =	vnez.u8 v7;
	v7 =	vld [tilespmem:$0x1FFC0];
	_ =	sdelay $0x4  }
0x6e: {  	v5 =	vsel vm11, $0x7, v5;
	vm11 =	vnez.u8 v7;
	v7 =	vpop (erf)  }
0x6f: {  	v5 =	vsel vm12, v5, v6;
	v8 =	vadd.f32 $1.000000000e+00, v7  }
0x70: {  	v6 =	vnsel vm12, $0x7, v6;
	v5 =	vsel vm13, $0x8, v5  }
0x71: {  	v5 =	vsel vm14, v5, v6;
	(erf) = vrcp.f32 v8;
	v8 =	vld [tilespmem:$0x1FFE0]  }
0x72: {  	v9 =	vld [tilespmem:$0x1FFD0];
	v6 =	vnsel vm14, $0x8, v6;
	v5 =	vsel vm9, $0x9, v5  }
0x73: {  	s13 =	simm.s32 $0x4400;
	v5 =	vsel vm15, v5, v6  }
0x74: {  	[tilespmem:s13+$0xFFFFFD80] =	vst v0;
	v6 =	vnsel vm15, $0x9, v6;
	v5 =	vsel vm10, $0xA, v5  }
0x75: {  	[tilespmem:s13+$0xFFFFFF00] =	vst v0;
	v5 =	vsel vm6, v5, v6  }
0x76: {  	[tilespmem:s13+$0xFFFFFF80] =	vst v0;
	v6 =	vnsel vm6, $0xA, v6;
	v5 =	vsel vm11, $0xB, v5;
	vm13 =	vnez.u8 v8;
	v8 =	vld [tilespmem:$0x1FFF0]  }
0x77: {  	[tilespmem:s13+$0x0] =	vst v0;
	vm12 =	vnez.u8 v9;
	v5 =	vsel vm5, v5, v6  }
0x78: {  	[tilespmem:s13+$0x100] =	vst v0;
	v6 =	vnsel vm5, $0xB, v6;
	v5 =	vsel vm12, $0xC, v5  }
0x79: {  	[tilespmem:s13+$0x80] =	vst v0;
	v5 =	vsel vm4, v5, v6  }
0x7a: {  	[tilespmem:s13+$0x180] =	vst v0;
	v6 =	vnsel vm4, $0xC, v6;
	v5 =	vsel vm13, $0xD, v5  }
0x7b: {  	[tilespmem:s13+$0xFFFFFE00] =	vst v0;
	v5 =	vsel vm3, v5, v6;
	vm14 =	vnez.u8 v8  }
0x7c: {  	[tilespmem:s13+$0x200] =	vst v0;
	v6 =	vnsel vm3, $0xD, v6;
	v5 =	vsel vm14, $0xE, v5  }
0x7d: {  	[tilespmem:s13+$0x280] =	vst v0;
	v5 =	vsel vm2, v5, v6;
	v6 =	vnsel vm2, $0xE, v6  }
0x7e: {  	[tilespmem:s13+$0x300] =	vst v0;
	v5 =	vsel vm0, $0xF, v5;
	v8 =	vnsel vm1, $0xF, v6  }
0x7f: {  	[tilespmem:s13+$0x380] =	vst v0;
	v5 =	vsel vm1, v5, v6;
	v6 =	vor.u32 v4, v8  }
0x80: {  	[tilespmem:s13+$0xFFFFFC00] =	vst v0;
	v9 =	vor.u32 v4, v5  }
0x81: {  	[tilespmem:s13+$0xFFFFFC80] =	vst v0  }
0x82: {  	s14 =	simm.s32 $0x10;
	[tilespmem:s13+$0xFFFFFE80] =	vst v0;
	v10 =	vpop (erf)  }
0x83: {  	[tilespmem:s13+$0xFFFFFD00] =	vst v0;
	v7 =	vmul.f32 v10, v7;
	v12 =	vor.u32 $0x80, v8;
	v4 =	vmov s14  }
0x84: {  	v4 =	vshll.u32 v4, $0x7;
	[tilespmem:v6+s9+$0x0] =	vst.idx.add.f32.msk $0xffff, v10  }
0x85: {  	vm15 =	vgt.f32 v7, $0.0e+00;
	v4 =	vor.u32 v1, v4;
	v6 =	vor.u32 $0x80, v5;
	[tilespmem:v9+s9+$0x0] =	vst.idx.add.f32.msk $0xffff, v7  }
0x86: {  	v17 =	vor.u32 $0x2, v4;
	v16 =	vor.u32 $0x3, v4;
	v15 =	vor.u32 $0x4, v4;
	[tilespmem:v8+s10+$0x0] =	vst.idx.add.f32.msk $0xffff, v10  }
0x87: {  	v14 =	vor.u32 $0x5, v4;
	v13 =	vor.u32 $0x6, v4;
	v9 =	vor.u32 $0x1, v4;
	[tilespmem:v5+s10+$0x0] =	vst.idx.add.f32.msk $0xffff, v7  }
0x88: {  	s14 =	simm.s32 $0x20;
	v11 =	vor.u32 $0x7, v4;
	v5 =	vor.u32 $0x8, v4;
	v7 =	vsel vm15, $0x3F800000, v0;
	[tilespmem:v12+s10+$0x0] =	vst.idx.add.f32.msk $0xffff, v3  }
.LBB2_2:
0x89: {  	p0 =	sne.s32 s14, $0x70  }
0x8a: {  	v18 =	vor.u32 $0x9, v4;
	v12 =	vor.u32 $0xA, v4;
	v10 =	vor.u32 $0xB, v4;
	[tilespmem:v6+s10+$0x0] =	vst.idx.add.f32.msk $0xffff, v7;
	s13 =	sadd.s32 $0x800, s13;
	s15 =	smov.u32 s14;
	s14 =	sadd.s32 $0x10, s14  }
0x8b: {  	v8 =	vor.u32 $0xC, v4;
	v6 =	vor.u32 $0xD, v4;
	v7 =	vor.u32 $0xE, v4;
	v19 =	vld.idx.msk [tilespmem:v4+s2+$0x0], $0xffff  }
0x8c: {  	v20 =	vld.idx.msk [tilespmem:v9+s2+$0x0], $0xffff;
	v9 =	vor.u32 $0xF, v4;
	_ =	sdelay $0x2  }
0x8d: {  	v17 =	vld.idx.msk [tilespmem:v17+s2+$0x0], $0xffff;
	_ =	sdelay $0x2  }
0x8e: {  	vm0 =	vgt.f32 v20, v19;
	vm1 =	vlt.f32 v20, $-Inf;
	vm2 =	vgt.f32 v20, $-Inf  }
0x8f: {  	vm3 =	vmneg vm0;
	vm1 =	vmor vm2, vm1;
	v16 =	vld.idx.msk [tilespmem:v16+s2+$0x0], $0xffff  }
0x90: {  	vm1 =	vmand vm3, vm1;
	v21 =	vsel vm3, v19, v20  }
0x91: {  	v20 =	vnsel vm1, $0xFF800000, v20;
	v22 =	vsel vm1, $0x1, v2;
	vm1 =	vgt.f32 v17, v21  }
0x92: {  	v19 =	vsel vm3, v20, v19  }
0x93: {  	vm1 =	vmneg vm1;
	vm2 =	vgt.f32 v17, v19;
	v15 =	vld.idx.msk [tilespmem:v15+s2+$0x0], $0xffff  }
0x94: {  	v20 =	vsel vm1, v21, v17;
	vm2 =	vmand vm1, vm2  }
0x95: {  	v17 =	vsel vm2, v17, v19;
	v19 =	vsel vm2, $0x2, v22;
	vm2 =	vgt.f32 v16, v20  }
0x96: {  	v17 =	vsel vm1, v17, v21;
	v14 =	vld.idx.msk [tilespmem:v14+s2+$0x0], $0xffff  }
0x97: {  	v21 =	vsel vm0, $0x1, v2;
	vm0 =	vmneg vm2;
	vm2 =	vgt.f32 v16, v17  }
0x98: {  	v19 =	vsel vm1, v19, v21;
	v22 =	vsel vm0, v20, v16;
	vm2 =	vmand vm0, vm2  }
0x99: {  	v16 =	vsel vm2, v16, v17;
	v17 =	vsel vm2, $0x3, v19;
	vm2 =	vgt.f32 v15, v22  }
0x9a: {  	v19 =	vnsel vm1, $0x2, v21;
	v16 =	vsel vm0, v16, v20;
	vm1 =	vmneg vm2  }
0x9b: {  	v17 =	vsel vm0, v17, v19;
	vm2 =	vgt.f32 v15, v16;
	v20 =	vsel vm1, v22, v15;
	v13 =	vld.idx.msk [tilespmem:v13+s2+$0x0], $0xffff  }
0x9c: {  	v19 =	vnsel vm0, $0x3, v19;
	vm0 =	vmand vm1, vm2;
	vm2 =	vgt.f32 v14, v20  }
0x9d: {  	v15 =	vsel vm0, v15, v16;
	v16 =	vsel vm0, $0x4, v17  }
0x9e: {  	v15 =	vsel vm1, v15, v22;
	v16 =	vsel vm1, v16, v19;
	v11 =	vld.idx.msk [tilespmem:v11+s2+$0x0], $0xffff  }
0x9f: {  	vm0 =	vmneg vm2;
	vm2 =	vgt.f32 v14, v15  }
0xa0: {  	v17 =	vsel vm0, v20, v14;
	vm2 =	vmand vm0, vm2  }
0xa1: {  	v14 =	vsel vm2, v14, v15;
	vm3 =	vgt.f32 v13, v17  }
0xa2: {  	v15 =	vnsel vm1, $0x4, v19;
	v14 =	vsel vm0, v14, v20;
	vm1 =	vmneg vm3  }
0xa3: {  	v16 =	vsel vm2, $0x5, v16;
	vm2 =	vgt.f32 v13, v14;
	v19 =	vsel vm1, v17, v13  }
0xa4: {  	v16 =	vsel vm0, v16, v15;
	vm2 =	vmand vm1, vm2;
	vm3 =	vgt.f32 v11, v19;
	v5 =	vld.idx.msk [tilespmem:v5+s2+$0x0], $0xffff  }
0xa5: {  	v15 =	vnsel vm0, $0x5, v15;
	v13 =	vsel vm2, v13, v14;
	v14 =	vsel vm2, $0x6, v16  }
0xa6: {  	v13 =	vsel vm1, v13, v17;
	v14 =	vsel vm1, v14, v15;
	v15 =	vnsel vm1, $0x6, v15  }
0xa7: {  	vm0 =	vmneg vm3;
	vm1 =	vgt.f32 v11, v13  }
0xa8: {  	v16 =	vnsel vm0, $0x7, v15;
	vm1 =	vmand vm0, vm1;
	v17 =	vld.idx.msk [tilespmem:v18+s2+$0x0], $0xffff  }
0xa9: {  	v13 =	vsel vm1, v11, v13;
	v14 =	vsel vm1, $0x7, v14;
	v11 =	vsel vm0, v19, v11  }
0xaa: {  	v13 =	vsel vm0, v13, v19;
	v14 =	vsel vm0, v14, v15;
	vm0 =	vgt.f32 v5, v11  }
0xab: {  	vm1 =	vmneg vm0;
	vm0 =	vgt.f32 v5, v13;
	v12 =	vld.idx.msk [tilespmem:v12+s2+$0x0], $0xffff  }
0xac: {  	vm0 =	vmand vm1, vm0  }
0xad: {  	v13 =	vsel vm0, v5, v13;
	v14 =	vsel vm0, $0x8, v14;
	v5 =	vsel vm1, v11, v5  }
0xae: {  	v11 =	vsel vm1, v13, v11;
	v13 =	vsel vm1, v14, v16;
	vm0 =	vgt.f32 v17, v5;
	v10 =	vld.idx.msk [tilespmem:v10+s2+$0x0], $0xffff  }
0xaf: {  	vm0 =	vmneg vm0;
	vm2 =	vgt.f32 v17, v11  }
0xb0: {  	v14 =	vnsel vm1, $0x8, v16;
	vm1 =	vmand vm0, vm2;
	v15 =	vsel vm0, v5, v17  }
0xb1: {  	v11 =	vsel vm1, v17, v11;
	v13 =	vsel vm1, $0x9, v13;
	vm1 =	vgt.f32 v12, v15  }
0xb2: {  	v5 =	vsel vm0, v11, v5;
	v11 =	vsel vm0, v13, v14;
	vm1 =	vmneg vm1  }
0xb3: {  	vm2 =	vgt.f32 v12, v5;
	v13 =	vsel vm1, v15, v12  }
0xb4: {  	vm2 =	vmand vm1, vm2;
	vm3 =	vgt.f32 v10, v13;
	v8 =	vld.idx.msk [tilespmem:v8+s2+$0x0], $0xffff  }
0xb5: {  	v5 =	vsel vm2, v12, v5;
	v11 =	vsel vm2, $0xA, v11;
	v9 =	vld.idx.msk [tilespmem:v9+s2+$0x0], $0xffff  }
0xb6: {  	v5 =	vsel vm1, v5, v15;
	v7 =	vld.idx.msk [tilespmem:v7+s2+$0x0], $0xffff  }
0xb7: {  	vm2 =	vmneg vm3;
	vm3 =	vgt.f32 v10, v5;
	v6 =	vld.idx.msk [tilespmem:v6+s2+$0x0], $0xffff  }
0xb8: {  	vm3 =	vmand vm2, vm3;
	[tilespmem:s13+$0xFFFFFD80] =	vst v0  }
0xb9: {  	v12 =	vnsel vm0, $0x9, v14;
	v5 =	vsel vm3, v10, v5;
	v10 =	vsel vm2, v13, v10;
	[tilespmem:s13+$0xFFFFFF00] =	vst v0  }
0xba: {  	v11 =	vsel vm1, v11, v12;
	v5 =	vsel vm2, v5, v13;
	vm0 =	vgt.f32 v8, v10;
	[tilespmem:s13+$0xFFFFFF80] =	vst v0  }
0xbb: {  	v12 =	vnsel vm1, $0xA, v12;
	vm0 =	vmneg vm0;
	vm1 =	vgt.f32 v8, v5;
	[tilespmem:s13+$0x0] =	vst v0  }
0xbc: {  	v11 =	vsel vm3, $0xB, v11;
	vm1 =	vmand vm0, vm1;
	v13 =	vsel vm0, v10, v8;
	[tilespmem:s13+$0x100] =	vst v0  }
0xbd: {  	v14 =	vnsel vm2, $0xB, v12;
	v5 =	vsel vm1, v8, v5;
	vm3 =	vgt.f32 v6, v13;
	[tilespmem:s13+$0x80] =	vst v0  }
0xbe: {  	v8 =	vsel vm2, v11, v12;
	v5 =	vsel vm0, v5, v10;
	v10 =	vnsel vm0, $0xC, v14;
	[tilespmem:s13+$0x180] =	vst v0  }
0xbf: {  	v8 =	vsel vm1, $0xC, v8;
	vm1 =	vmneg vm3;
	vm2 =	vgt.f32 v6, v5;
	[tilespmem:s13+$0xFFFFFE00] =	vst v0  }
0xc0: {  	v11 =	vsel vm1, v13, v6;
	v12 =	vnsel vm1, $0xD, v10;
	vm2 =	vmand vm1, vm2;
	[tilespmem:s13+$0x200] =	vst v0  }
0xc1: {  	v8 =	vsel vm0, v8, v14;
	vm0 =	vgt.f32 v7, v11;
	v5 =	vsel vm2, v6, v5;
	[tilespmem:s13+$0x280] =	vst v0  }
0xc2: {  	v6 =	vsel vm2, $0xD, v8;
	v5 =	vsel vm1, v5, v13;
	[tilespmem:s13+$0x300] =	vst v0  }
0xc3: {  	v6 =	vsel vm1, v6, v10;
	vm1 =	vmneg vm0;
	vm0 =	vgt.f32 v7, v5;
	[tilespmem:s13+$0x380] =	vst v0  }
0xc4: {  	v8 =	vsel vm1, v11, v7;
	vm0 =	vmand vm1, vm0;
	[tilespmem:s13+$0xFFFFFC00] =	vst v0  }
0xc5: {  	v5 =	vsel vm0, v7, v5;
	v6 =	vsel vm0, $0xE, v6;
	vm0 =	vgt.f32 v9, v8;
	[tilespmem:s13+$0xFFFFFC80] =	vst v0  }
0xc6: {  	v5 =	vsel vm1, v5, v11;
	v6 =	vsel vm1, v6, v12;
	[tilespmem:s13+$0xFFFFFE80] =	vst v0  }
0xc7: {  	vm0 =	vmneg vm0;
	vm2 =	vgt.f32 v9, v5;
	[tilespmem:s13+$0xFFFFFD00] =	vst v0  }
0xc8: {  	vm2 =	vmand vm0, vm2  }
0xc9: {  	v7 =	vnsel vm1, $0xE, v12;
	v5 =	vsel vm2, v9, v5;
	v6 =	vsel vm2, $0xF, v6  }
0xca: {  	v5 =	vsel vm0, v5, v8;
	v10 =	vsel vm0, v6, v7;
	v6 =	vsel vm0, v8, v9  }
0xcb: {  	v5 =	vsub.f32 v5, v6;
	v8 =	vor.u32 v4, v10;
	_ =	sdelay $0x1  }
0xcc: {  	v5 =	vmul.f32 $1.442695020e+00, v5;
	_ =	sdelay $0x1  }
0xcd: {  	(erf) = vpow2.f32 v5;
	_ =	sdelay $0x8  }
0xce: {  	v5 =	vpop (erf)  }
0xcf: {  	v6 =	vadd.f32 $1.000000000e+00, v5;
	_ =	sdelay $0x1  }
0xd0: {  	(erf) = vrcp.f32 v6;
	_ =	sdelay $0x4  }
0xd1: {  	v7 =	vnsel vm0, $0xF, v7  }
0xd2: {  	v4 =	vor.u32 v4, v7;
	_ =	sdelay $0x2  }
0xd3: {  	v11 =	vpop (erf)  }
0xd4: {  	v12 =	vor.u32 $0x80, v7;
	v6 =	vmov s15;
	v5 =	vmul.f32 v11, v5  }
.Ltmp0:
0xd5: {  	v9 =	vshll.u32 v6, $0x7;
	v6 =	vor.u32 $0x80, v10;
	[tilespmem:v4+s9+$0x0] =	vst.idx.add.f32.msk $0xffff, v11;
	(pc) =	sbr.rel @p0 .LBB2_2-.Ltmp0, $4  }
0xd6: {  	v4 =	vor.u32 v1, v9;
	[tilespmem:v8+s9+$0x0] =	vst.idx.add.f32.msk $0xffff, v5;
	vm0 =	vgt.f32 v5, $0.0e+00  }
0xd7: {  	v9 =	vor.u32 $0x1, v4;
	v17 =	vor.u32 $0x2, v4;
	v16 =	vor.u32 $0x3, v4;
	[tilespmem:v7+s10+$0x0] =	vst.idx.add.f32.msk $0xffff, v11  }
0xd8: {  	v15 =	vor.u32 $0x4, v4;
	v14 =	vor.u32 $0x5, v4;
	v13 =	vor.u32 $0x6, v4;
	[tilespmem:v10+s10+$0x0] =	vst.idx.add.f32.msk $0xffff, v5  }
0xd9: {  	v11 =	vor.u32 $0x7, v4;
	v7 =	vsel vm0, $0x3F800000, v0;
	v5 =	vor.u32 $0x8, v4;
	[tilespmem:v12+s10+$0x0] =	vst.idx.add.f32.msk $0xffff, v3  }
0xda: {  	_ =	sdelay $0x3  }
0xdb: {  	[tilespmem:v6+s10+$0x0] =	vst.idx.add.f32.msk $0xffff, v7  }
0xdc: {  	v6 =	vld.idx.msk [tilespmem:v4+s2+$0x0], $0xffff  }
0xdd: {  	v7 =	vld.idx.msk [tilespmem:v9+s2+$0x0], $0xffff;
	_ =	sdelay $0x3  }
0xde: {  	v55 =	vimm.s32 $0x0;
	v8 =	vld.idx.msk [tilespmem:v17+s2+$0x0], $0xffff  }
0xdf: {  	vm2 =	vgt.f32 v7, v6;
	vm0 =	vlt.f32 v7, $-Inf;
	vm1 =	vgt.f32 v7, $-Inf  }
0xe0: {  	v9 =	vsel vm2, $0xFFFFFFFF, v55;
	vm2 =	vmneg vm2;
	vm0 =	vmor vm1, vm0  }
0xe1: {  	vm1 =	vmand vm2, vm0  }
0xe2: {  	v56 =	vld.idx.msk [tilespmem:v16+s2+$0x0], $0xffff;
	v10 =	vsel vm2, v6, v7;
	v7 =	vnsel vm1, $0xFF800000, v7  }
0xe3: {  	vm4 =	vgt.f32 v8, v10;
	v6 =	vsel vm2, v7, v6  }
0xe4: {  	vm11 =	vmneg vm4;
	vm5 =	vgt.f32 v8, v6  }
0xe5: {  	vm13 =	vmand vm11, vm5  }
0xe6: {  	v57 =	vld.idx.msk [tilespmem:v15+s2+$0x0], $0xffff;
	v12 =	vsel vm11, v10, v8;
	v6 =	vsel vm13, v8, v6  }
0xe7: {  	vm6 =	vgt.f32 v56, v12;
	v6 =	vsel vm11, v6, v10  }
0xe8: {  	vm10 =	vmneg vm6;
	vm7 =	vgt.f32 v56, v6  }
0xe9: {  	vm0 =	vmand vm10, vm7  }
0xea: {  	v59 =	vld.idx.msk [tilespmem:v14+s2+$0x0], $0xffff;
	v60 =	vsel vm10, v12, v56;
	v6 =	vsel vm0, v56, v6  }
0xeb: {  	vm8 =	vgt.f32 v57, v60;
	v6 =	vsel vm10, v6, v12  }
0xec: {  	v58 =	vimm.s32 $0x0;
	vm8 =	vmneg vm8;
	vm9 =	vgt.f32 v57, v6  }
0xed: {  	v8 =	vsel vm0, $0xFFFFFFFF, v58;
	vm0 =	vmand vm8, vm9  }
0xee: {  	v63 =	vld.idx.msk [tilespmem:v13+s2+$0x0], $0xffff;
	v62 =	vsel vm8, v60, v57;
	v6 =	vsel vm0, v57, v6  }
0xef: {  	vm12 =	vgt.f32 v59, v62;
	v6 =	vsel vm8, v6, v60  }
0xf0: {  	v61 =	vimm.s32 $0x0;
	vm7 =	vmneg vm12;
	vm14 =	vgt.f32 v59, v6  }
0xf1: {  	[tilespmem:$0x1FE50] =	vst v9;
	v9 =	vsel vm0, $0xFFFFFFFF, v61;
	vm0 =	vmand vm7, vm14  }
0xf2: {  	v15 =	vld.idx.msk [tilespmem:v11+s2+$0x0], $0xffff;
	v16 =	vsel vm7, v62, v59;
	v6 =	vsel vm0, v59, v6  }
0xf3: {  	vm15 =	vgt.f32 v63, v16;
	v6 =	vsel vm7, v6, v62  }
0xf4: {  	v14 =	vimm.s32 $0x0;
	vm9 =	vmneg vm15;
	vm4 =	vgt.f32 v63, v6  }
0xf5: {  	v17 =	vor.u32 $0x9, v4;
	v7 =	vsel vm0, $0xFFFFFFFF, v14;
	vm0 =	vmand vm9, vm4  }
0xf6: {  	v5 =	vld.idx.msk [tilespmem:v5+s2+$0x0], $0xffff;
	v19 =	vsel vm9, v16, v63;
	v6 =	vsel vm0, v63, v6  }
0xf7: {  	vm5 =	vgt.f32 v15, v19;
	v6 =	vsel vm9, v6, v16  }
0xf8: {  	v18 =	vimm.s32 $0x0;
	[tilespmem:$0x1FE60] =	vst v8;
	vm12 =	vmneg vm5;
	vm6 =	vgt.f32 v15, v6  }
0xf9: {  	v20 =	vor.u32 $0xA, v4;
	[tilespmem:$0x1FE70] =	vst v9;
	v9 =	vsel vm0, $0xFFFFFFFF, v18;
	vm0 =	vmand vm12, vm6  }
0xfa: {  	v8 =	vld.idx.msk [tilespmem:v17+s2+$0x0], $0xffff;
	[tilespmem:$0x1FE80] =	vst v7;
	v7 =	vsel vm12, v19, v15;
	v6 =	vsel vm0, v15, v6  }
0xfb: {  	vm14 =	vgt.f32 v5, v7;
	v6 =	vsel vm12, v6, v19  }
0xfc: {  	v21 =	vimm.s32 $0x0;
	vm14 =	vmneg vm14;
	vm15 =	vgt.f32 v5, v6  }
0xfd: {  	v22 =	vor.u32 $0xB, v4;
	v11 =	vsel vm0, $0xFFFFFFFF, v21;
	vm0 =	vmand vm14, vm15  }
0xfe: {  	v10 =	vld.idx.msk [tilespmem:v20+s2+$0x0], $0xffff;
	v6 =	vsel vm0, v5, v6;
	v5 =	vsel vm14, v7, v5  }
0xff: {  	v6 =	vsel vm14, v6, v7;
	vm4 =	vgt.f32 v8, v5  }
0x100: {  	v23 =	vimm.s32 $0x0;
	vm15 =	vmneg vm4;
	vm5 =	vgt.f32 v8, v6  }
0x101: {  	v24 =	vor.u32 $0xC, v4;
	[tilespmem:$0x1FEA0] =	vst v11;
	v11 =	vsel vm0, $0xFFFFFFFF, v23;
	vm0 =	vmand vm15, vm5  }
0x102: {  	[tilespmem:$0x1FE90] =	vst v9;
	v9 =	vld.idx.msk [tilespmem:v22+s2+$0x0], $0xffff;
	v26 =	vsel vm15, v5, v8;
	v6 =	vsel vm0, v8, v6  }
0x103: {  	vm6 =	vgt.f32 v10, v26;
	v5 =	vsel vm15, v6, v5  }
0x104: {  	v25 =	vimm.s32 $0x0;
	vm6 =	vmneg vm6;
	vm4 =	vgt.f32 v10, v5  }
0x105: {  	v27 =	vor.u32 $0xD, v4;
	[tilespmem:$0x1FEB0] =	vst v11;
	v11 =	vsel vm0, $0xFFFFFFFF, v25;
	vm0 =	vmand vm6, vm4  }
0x106: {  	v7 =	vld.idx.msk [tilespmem:v24+s2+$0x0], $0xffff;
	v29 =	vsel vm6, v26, v10;
	v5 =	vsel vm0, v10, v5  }
0x107: {  	vm5 =	vgt.f32 v9, v29;
	v5 =	vsel vm6, v5, v26  }
0x108: {  	v28 =	vimm.s32 $0x0;
	vm5 =	vmneg vm5;
	vm4 =	vgt.f32 v9, v5  }
0x109: {  	v30 =	vor.u32 $0xE, v4;
	v8 =	vsel vm0, $0xFFFFFFFF, v28;
	vm0 =	vmand vm5, vm4  }
0x10a: {  	v6 =	vld.idx.msk [tilespmem:v27+s2+$0x0], $0xffff;
	v5 =	vsel vm0, v9, v5;
	v9 =	vsel vm5, v29, v9  }
0x10b: {  	v31 =	vimm.s32 $0x0;
	v5 =	vsel vm5, v5, v29;
	vm4 =	vgt.f32 v7, v9  }
0x10c: {  	[tilespmem:$0x1FEC0] =	vst v11;
	v11 =	vsel vm0, $0xFFFFFFFF, v31;
	vm4 =	vmneg vm4;
	vm0 =	vgt.f32 v7, v5  }
0x10d: {  	v32 =	vor.u32 $0xF, v4;
	vm0 =	vmand vm4, vm0  }
0x10e: {  	v33 =	vimm.s32 $0x0;
	v10 =	vld.idx.msk [tilespmem:v30+s2+$0x0], $0xffff;
	v34 =	vsel vm4, v9, v7;
	v5 =	vsel vm0, v7, v5  }
0x10f: {  	[tilespmem:$0x1FEE0] =	vst v11;
	v11 =	vsel vm0, $0xFFFFFFFF, v33;
	vm0 =	vgt.f32 v6, v34;
	v5 =	vsel vm4, v5, v9  }
0x110: {  	vm3 =	vmneg vm0;
	vm0 =	vgt.f32 v6, v5  }
0x111: {  	v41 =	vld [tilespmem:$0x1FE50];
	vm0 =	vmand vm3, vm0  }
0x112: {  	v35 =	vimm.s32 $0x0;
	v36 =	vld.idx.msk [tilespmem:v32+s2+$0x0], $0xffff;
	v37 =	vsel vm3, v34, v6;
	v5 =	vsel vm0, v6, v5  }
0x113: {  	v7 =	vsel vm0, $0xFFFFFFFF, v35;
	vm0 =	vgt.f32 v10, v37;
	v5 =	vsel vm3, v5, v34  }
0x114: {  	v38 =	vsel vm1, $0x1, v2;
	v42 =	vld [tilespmem:$0x1FE60];
	vm2 =	vmneg vm0;
	vm0 =	vgt.f32 v10, v5  }
0x115: {  	v39 =	vimm.s32 $0x0;
	v6 =	vsel vm13, $0x2, v38;
	vm0 =	vmand vm2, vm0  }
0x116: {  	v44 =	vld [tilespmem:$0x1FE70];
	vm13 =	vnez.u8 v41;
	v40 =	vsel vm2, v37, v10;
	v9 =	vsel vm0, $0xFFFFFFFF, v39  }
0x117: {  	v5 =	vsel vm0, v10, v5;
	v10 =	vsel vm13, $0x1, v2;
	vm13 =	vgt.f32 v36, v40  }
0x118: {  	v46 =	vld [tilespmem:$0x1FE80];
	v5 =	vsel vm2, v5, v37;
	v6 =	vsel vm11, v6, v10;
	vm1 =	vmneg vm13  }
0x119: {  	vm13 =	vnez.u8 v42;
	v43 =	vnsel vm11, $0x2, v10;
	vm0 =	vgt.f32 v36, v5  }
0x11a: {  	v47 =	vld [tilespmem:$0x1FE90];
	[tilespmem:$0x1FED0] =	vst v8;
	v6 =	vsel vm13, $0x3, v6;
	v8 =	vnsel vm10, $0x3, v43;
	vm0 =	vmand vm1, vm0  }
0x11b: {  	vm13 =	vnez.u8 v44;
	v6 =	vsel vm10, v6, v43;
	v5 =	vsel vm0, v36, v5  }
0x11c: {  	v49 =	vld [tilespmem:$0x1FEA0];
	[tilespmem:$0x1FF00] =	vst v7;
	v7 =	vsel vm1, v40, v36;
	v6 =	vsel vm13, $0x4, v6;
	v5 =	vsel vm1, v5, v40  }
0x11d: {  	vm13 =	vnez.u8 v46;
	v6 =	vsel vm8, v6, v8;
	v5 =	vsub.f32 v5, v7  }
0x11e: {  	v50 =	vld [tilespmem:$0x1FEB0];
	v45 =	vnsel vm8, $0x4, v8;
	v6 =	vsel vm13, $0x5, v6  }
0x11f: {  	vm10 =	vnez.u8 v47;
	v6 =	vsel vm7, v6, v45;
	v5 =	vmul.f32 $1.442695020e+00, v5  }
0x120: {  	v51 =	vld [tilespmem:$0x1FEC0];
	v7 =	vnsel vm7, $0x5, v45;
	v6 =	vsel vm10, $0x6, v6  }
0x121: {  	vm11 =	vnez.u8 v49;
	(erf) = vpow2.f32 v5;
	v5 =	vsel vm9, v6, v7  }
0x122: {  	v52 =	vld [tilespmem:$0x1FED0];
	v48 =	vnsel vm9, $0x6, v7;
	v5 =	vsel vm11, $0x7, v5  }
0x123: {  	vm13 =	vnez.u8 v50;
	v5 =	vsel vm12, v5, v48  }
0x124: {  	v53 =	vld [tilespmem:$0x1FEE0];
	v6 =	vnsel vm12, $0x7, v48;
	v5 =	vsel vm13, $0x8, v5  }
0x125: {  	[tilespmem:$0x1FEF0] =	vst v11;
	vm9 =	vnez.u8 v51;
	v5 =	vsel vm14, v5, v6  }
0x126: {  	s13 =	sadd.s32 $0x800, s13;
	v56 =	vld [tilespmem:$0x1FEF0];
	v6 =	vnsel vm14, $0x8, v6;
	v5 =	vsel vm9, $0x9, v5  }
0x127: {  	[tilespmem:s13+$0xFFFFFD80] =	vst v0;
	vm10 =	vnez.u8 v52;
	v5 =	vsel vm15, v5, v6  }
0x128: {  	[tilespmem:s13+$0xFFFFFF00] =	vst v0;
	v57 =	vld [tilespmem:$0x1FF00];
	v6 =	vnsel vm15, $0x9, v6;
	v5 =	vsel vm10, $0xA, v5  }
0x129: {  	[tilespmem:$0x1FF10] =	vst v9;
	vm11 =	vnez.u8 v53;
	v5 =	vsel vm6, v5, v6  }
0x12a: {  	[tilespmem:s13+$0xFFFFFF80] =	vst v0;
	v58 =	vld [tilespmem:$0x1FF10];
	v6 =	vnsel vm6, $0xA, v6;
	v5 =	vsel vm11, $0xB, v5;
	v54 =	vpop (erf)  }
0x12b: {  	[tilespmem:s13+$0x0] =	vst v0;
	vm12 =	vnez.u8 v56;
	v5 =	vsel vm5, v5, v6;
	v55 =	vadd.f32 $1.000000000e+00, v54  }
0x12c: {  	[tilespmem:s13+$0x100] =	vst v0;
	v6 =	vnsel vm5, $0xB, v6;
	v5 =	vsel vm12, $0xC, v5  }
0x12d: {  	[tilespmem:s13+$0x80] =	vst v0;
	vm13 =	vnez.u8 v57;
	v5 =	vsel vm4, v5, v6;
	(erf) = vrcp.f32 v55  }
0x12e: {  	[tilespmem:s13+$0x180] =	vst v0;
	v6 =	vnsel vm4, $0xC, v6;
	v5 =	vsel vm13, $0xD, v5  }
0x12f: {  	[tilespmem:s13+$0xFFFFFE00] =	vst v0;
	vm14 =	vnez.u8 v58;
	v5 =	vsel vm3, v5, v6  }
0x130: {  	[tilespmem:s13+$0x200] =	vst v0;
	v6 =	vnsel vm3, $0xD, v6;
	v5 =	vsel vm14, $0xE, v5  }
0x131: {  	[tilespmem:s13+$0x280] =	vst v0;
	v5 =	vsel vm2, v5, v6;
	v6 =	vnsel vm2, $0xE, v6  }
0x132: {  	[tilespmem:s13+$0x300] =	vst v0;
	v5 =	vsel vm0, $0xF, v5;
	v59 =	vnsel vm1, $0xF, v6  }
0x133: {  	[tilespmem:s13+$0x380] =	vst v0;
	v5 =	vsel vm1, v5, v6;
	v60 =	vor.u32 v4, v59  }
0x134: {  	[tilespmem:s13+$0xFFFFFC00] =	vst v0;
	v4 =	vor.u32 v4, v5  }
0x135: {  	[tilespmem:s13+$0xFFFFFC80] =	vst v0  }
0x136: {  	[tilespmem:s13+$0xFFFFFE80] =	vst v0;
	v61 =	vpop (erf)  }
0x137: {  	[tilespmem:s13+$0xFFFFFD00] =	vst v0;
	v62 =	vor.u32 $0x80, v59;
	v7 =	vmul.f32 v61, v54  }
0x138: {  	v63 =	vor.u32 $0x80, v5;
	[tilespmem:v60+s9+$0x0] =	vst.idx.add.f32.msk $0xffff, v61  }
0x139: {  	[tilespmem:v4+s9+$0x0] =	vst.idx.add.f32.msk $0xffff, v7  }
0x13a: {  	[tilespmem:v59+s10+$0x0] =	vst.idx.add.f32.msk $0xffff, v61  }
0x13b: {  	vm15 =	vgt.f32 v7, $0.0e+00;
	[tilespmem:v5+s10+$0x0] =	vst.idx.add.f32.msk $0xffff, v7  }
0x13c: {  	v4 =	vsel vm15, $0x3F800000, v0;
	[tilespmem:v62+s10+$0x0] =	vst.idx.add.f32.msk $0xffff, v3  }
0x13d: {  	[tilespmem:v63+s10+$0x0] =	vst.idx.add.f32.msk $0xffff, v4  }
0x13e: {  	[hbm4b:s5+s2] =	stream.linear.scatter [tilespmem:s9], [sflag:$0x1], $0x4000, $0x38;
	[tilespmem:$0x8100] =	vst v63  }
0x13f: {  	_ =	swait.ge [sflag:s8], $0x4000  }
0x140: {  	[sflag:s8] =	ssyncset.done $0x0  }
0x141: {  	[sflag:s8] =	ssyncadd.s32 $0xFFFFC000  }
0x142: {  	[hbm4b:s3+s2] =	stream.linear.scatter [tilespmem:s10], [sflag:$0x1], $0x80, $0x38;
	[tilespmem:$0x8100] =	vst v63  }
0x143: {  	s12 =	sadd.s32 $0x1, s12;
	_ =	swait.ge [sflag:s8], $0x80  }
0x144: {  	p0 =	sne.s32 s12, s7;
	[sflag:s8] =	ssyncset.done $0x0  }
.Ltmp1:
0x145: {  	[sflag:s8] =	ssyncadd.s32 $0xFFFFFF80;
	(pc) =	sbr.rel @p0 .LBB2_1-.Ltmp1, $4  }
0x146: {  	[hbm4b:s6+s2] =	stream.linear.scatter [tilespmem:s11], [sflag:$0x1], $0x80, $0x38;
	[tilespmem:$0x8100] =	vst v63  }
0x147: {  	_ =	swait.ge [sflag:s8], $0x80  }
0x148: {  	[sflag:s8] =	ssyncset.done $0x0  }
0x149: {  	[sflag:s8] =	ssyncadd.s32 $0xFFFFFF80  }
0x14a: {  	_ =	sfence.sel $0x180000  }
0x14b: {  	[bflag:$0x0] =	sbarrier.arrive $0xFFFF  }
0x14c: {  	p0 =	sne.s32 s1, $0x0;
	_ =	strace $0x9000004A  }
0x14d: {  	s0 =	sadd.s32 @!p0 $0x100000, s0;
	[bflag:$0x2] =	sbarrier.arrive $0xFFFF  }
0x14e: {  	[sflag:s0] =	ssyncadd.tile.s32 @!p0 $0x1;
	_ =	shalt  }
.Lfunc_end2:
_tile_overlayer_lowered:
.L_overlay_start_2:
0x14f: {  	(tag) =	ssettag $0x2  }
0x150: {  	s0 =	rddreg [dreg:$0x0];
	s2 =	stileid.u32  }
0x151: {  	s1 =	rddreg [dreg:$0x1];
	p0 =	sne.s32 s2, $0x0  }
0x152: {  	s3 =	rddreg [dreg:$0x2];
	[bflag:$0x3] =	sbarrier.arrive $0xFFFF;
	s2 =	simm.s32 @!p0 $0x1C01  }
0x153: {  	[timem:s3], [sflag:s2] =	dma.local @!p0 [hbm:s0], s1  }
0x154: {  	s0 =	simm.s32 @!p0 $0x1  }
0x155: {  	_ =	swait.ge @!p0 [sflag:s0], s1  }
0x156: {  	s1 =	ssub.s32 @!p0 $0x0, s1;
	[sflag:s0] =	ssyncset.done @!p0 $0x0  }
0x157: {  	[sflag:s0] =	ssyncadd.s32 @!p0 s1  }
0x158: {  	[bflag:$0x3] =	sbarrier.arrive $0xFFFF  }
0x159: {  	_ =	shalt  }

</sc_bundles>
